<compile_context>
chip_gen: v7x
topology: tpu7x:2x2x1
jax: 0.10.2.dev20260603
libtpu: 0.0.44.dev20260713+nightly
codegen_flags: <defaults>
</compile_context>

<pallas_src>
import jax
import jax.numpy as jnp
from jax import lax
from jax.experimental import pallas as pl
from jax.experimental.pallas import tpu as pltpu
from jax.experimental.pallas import tpu_sc as plsc

B = 4096
LSEQ = 50
EMB = 256
OUT = 1000
VOCAB = 100000

NC = 2
NS = 16
LANES = 16
NW = NC * NS
BPW = B // NW
NREG = EMB // LANES


def _sc_pool_body(src_hbm, table_hbm, out_hbm, idx_v, rows0, rows1, acc_v,
                  sem0, sem1):
    c = lax.axis_index("c")
    s = lax.axis_index("s")
    wid = s * NC + c
    base = wid * BPW

    pltpu.sync_copy(src_hbm.at[pl.ds(base, BPW), :], idx_v)

    pltpu.async_copy(table_hbm.at[idx_v.at[0]], rows0, sem0)
    pltpu.async_copy(table_hbm.at[idx_v.at[1]], rows1, sem1)

    def process(rows, row_i):
        def jbody(j, accs):
            return tuple(accs[k] + rows[j, pl.ds(k * LANES, LANES)]
                         for k in range(NREG))
        zero = jnp.zeros((LANES,), jnp.float32)
        accs = lax.fori_loop(0, LSEQ, jbody, (zero,) * NREG)
        for k in range(NREG):
            acc_v[row_i, pl.ds(k * LANES, LANES)] = accs[k]

    def obody(i, carry):
        r0 = 2 * i
        pltpu.make_async_copy(table_hbm.at[idx_v.at[r0]], rows0, sem0).wait()
        process(rows0, r0)

        @pl.when(r0 + 2 < BPW)
        def _():
            pltpu.async_copy(table_hbm.at[idx_v.at[r0 + 2]], rows0, sem0)

        pltpu.make_async_copy(table_hbm.at[idx_v.at[r0 + 1]], rows1,
                              sem1).wait()
        process(rows1, r0 + 1)

        @pl.when(r0 + 3 < BPW)
        def _():
            pltpu.async_copy(table_hbm.at[idx_v.at[r0 + 3]], rows1, sem1)

        return carry

    lax.fori_loop(0, BPW // 2, obody, 0)

    pltpu.sync_copy(acc_v, out_hbm.at[pl.ds(base, BPW), :])


def _sc_pool(src, table):
    mesh = plsc.VectorSubcoreMesh(core_axis_name="c", subcore_axis_name="s")
    f = pl.kernel(
        _sc_pool_body,
        out_type=jax.ShapeDtypeStruct((B, EMB), jnp.float32),
        mesh=mesh,
        scratch_types=[
            pltpu.VMEM((BPW, LSEQ), jnp.int32),
            pltpu.VMEM((LSEQ, EMB), jnp.float32),
            pltpu.VMEM((LSEQ, EMB), jnp.float32),
            pltpu.VMEM((BPW, EMB), jnp.float32),
            pltpu.SemaphoreType.DMA,
            pltpu.SemaphoreType.DMA,
        ],
    )
    return f(src, table)


def _tc_finish_body(emb_ref, src_ref, w_ref, b_ref, out_ref):
    x = emb_ref[...]
    cnt = jnp.sum((src_ref[...] != 0).astype(jnp.float32), axis=1,
                  keepdims=True)
    x = x / cnt
    logits = lax.dot_general(x, w_ref[...], (((1,), (1,)), ((), ())),
                             preferred_element_type=jnp.float32,
                             precision=lax.Precision.HIGHEST)
    logits = logits + b_ref[...]
    m = jnp.max(logits, axis=-1, keepdims=True)
    sh = logits - m
    lse = jnp.log(jnp.sum(jnp.exp(sh), axis=-1, keepdims=True))
    out_ref[...] = sh - lse


def _tc_finish(emb_sum, src, W, b):
    BB = 512
    return pl.pallas_call(
        _tc_finish_body,
        grid=(B // BB,),
        in_specs=[
            pl.BlockSpec((BB, EMB), lambda i: (i, 0)),
            pl.BlockSpec((BB, LSEQ), lambda i: (i, 0)),
            pl.BlockSpec((OUT, EMB), lambda i: (0, 0)),
            pl.BlockSpec((1, OUT), lambda i: (0, 0)),
        ],
        out_specs=pl.BlockSpec((BB, OUT), lambda i: (i, 0)),
        out_shape=jax.ShapeDtypeStruct((B, OUT), jnp.float32),
    )(emb_sum, src, W, b.reshape(1, OUT))


def kernel(src, table, W, b):
    emb_sum = _sc_pool(src, table)
    return _tc_finish(emb_sum, src, W, b)

# --- scband reference (transcript-rebuilt; emitter-appended) ---
"""Pipeline reference for scband-embedding-model-24739011624974 (READ-ONLY COPY).

The authoritative reference and input builder live on the scoring server;
editing this copy changes nothing except your own understanding.
"""

import jax, jax.numpy as jnp
import numpy as np

VOCAB = 100000
EMB = 256
OUT = 1000
B = 4096
L = 50


def setup_inputs(seed: int = 0) -> dict:
    key = jax.random.key(seed)
    k1, k2, k3, k4 = jax.random.split(key, 4)
    src = jax.random.randint(k1, (B, L), 0, VOCAB, dtype=jnp.int32)
    # nn.Embedding weight ~ N(0,1), padding_idx=0 row zeroed
    table = jax.random.normal(k2, (VOCAB, EMB), dtype=jnp.float32)
    table = table.at[0].set(0.0)
    # nn.Linear init: U(-1/sqrt(fan_in), 1/sqrt(fan_in))
    bound = 1.0 / np.sqrt(EMB)
    W = jax.random.uniform(k3, (OUT, EMB), minval=-bound, maxval=bound, dtype=jnp.float32)
    b = jax.random.uniform(k4, (OUT,), minval=-bound, maxval=bound, dtype=jnp.float32)
    return {"src": src, "table": table, "W": W, "b": b}


def reference(src, table, W, b):
    # batched input: src is [B, L]
    emb = jnp.take(table, src, axis=0)          # [B, L, EMB] gather
    emb = jnp.sum(emb, axis=1)                   # [B, EMB]
    lengths = jnp.sum(src != 0, axis=1)          # [B]
    lengths = lengths.astype(emb.dtype)[:, None] # broadcast == repeat((1, embed_dim))
    emb = emb / lengths
    logits = emb @ W.T + b                       # Linear
    return jax.nn.log_softmax(logits, axis=-1)   # LogSoftmax(dim=-1)

if __name__ == "__main__":
    import jax
    _d = setup_inputs()
    print(jax.jit(kernel)(*tuple(_d.values())))

</pallas_src>

<mosaic_0001>
#map = affine_map<(d0, d1) -> (0, 0)>
module attributes {stable_mosaic.version = 14 : i64} {
  func.func @_sc_pool_body(%arg0: i32, %arg1: i32, %arg2: memref<4096x50xi32, #tpu.memory_space<hbm>>, %arg3: memref<100000x256xf32, #tpu.memory_space<hbm>>, %arg4: memref<4096x256xf32, #tpu.memory_space<hbm>>, %arg5: memref<128x50xi32, #tpu.memory_space<vmem>>, %arg6: memref<50x256xf32, #tpu.memory_space<vmem>>, %arg7: memref<50x256xf32, #tpu.memory_space<vmem>>, %arg8: memref<128x256xf32, #tpu.memory_space<vmem>>, %arg9: memref<!tpu.dma_semaphore, #tpu.memory_space<semaphore_mem>>, %arg10: memref<!tpu.dma_semaphore, #tpu.memory_space<semaphore_mem>>) attributes {dimension_semantics = [#tpu.dimension_semantics<core_parallel>, #tpu.dimension_semantics<subcore_parallel>], iteration_bounds = array<i64: 2, 16>, scalar_prefetch = 0 : i64, scratch_operands = 6 : i64, tpu.core_type = #tpu.core_type<sc_vector_subcore>, window_params = [{transform_indices = #map}, {transform_indices = #map}, {transform_indices = #map}]} {
    %mul3A = arith.constant 2 : i32
    %mul3A_0 = arith.muli %arg1, %mul3A : i32
    %add3A = arith.addi %mul3A_0, %arg0 : i32
    %mul3A_1 = arith.constant 128 : i32
    %mul3A_2 = arith.muli %add3A, %mul3A_1 : i32
    "tpu.region"() ({
      %run_scoped3A = tpu.sem_alloc : memref<!tpu.dma_semaphore, #tpu.memory_space<semaphore_mem>>
      %dma_start3A_21 = arith.constant 0 : i32
      %dma_start3A_22 = tpu.memref_slice %arg2[%mul3A_2, %dma_start3A_21] : memref<4096x50xi32, #tpu.memory_space<hbm>> -> memref<128x50xi32, #tpu.memory_space<hbm>>
      %dma_start3A_23 = arith.constant 0 : i32
      %dma_start3A_24 = tpu.memref_slice %arg2[%mul3A_2, %dma_start3A_23] : memref<4096x50xi32, #tpu.memory_space<hbm>> -> memref<128x50xi32, #tpu.memory_space<hbm>>
      tpu.enqueue_dma source(%dma_start3A_24 : memref<128x50xi32, #tpu.memory_space<hbm>>) target(%arg5 : memref<128x50xi32, #tpu.memory_space<vmem>>) target_semaphore(%run_scoped3A : memref<!tpu.dma_semaphore, #tpu.memory_space<semaphore_mem>>)
      %dma_wait3A = arith.constant 0 : i32
      %dma_wait3A_25 = tpu.memref_slice %arg2[%mul3A_2, %dma_wait3A] : memref<4096x50xi32, #tpu.memory_space<hbm>> -> memref<128x50xi32, #tpu.memory_space<hbm>>
      %dma_wait3A_26 = arith.constant 0 : i32
      %dma_wait3A_27 = tpu.memref_slice %arg2[%mul3A_2, %dma_wait3A_26] : memref<4096x50xi32, #tpu.memory_space<hbm>> -> memref<128x50xi32, #tpu.memory_space<hbm>>
      tpu.wait_dma2 semaphore(%run_scoped3A : memref<!tpu.dma_semaphore, #tpu.memory_space<semaphore_mem>>) src(%dma_wait3A_27 : memref<128x50xi32, #tpu.memory_space<hbm>>) dst(%arg5 : memref<128x50xi32, #tpu.memory_space<vmem>>)
      tpu.yield
    }) : () -> ()
    %dma_start3A = arith.constant 0 : i32
    %dma_start3A_3 = arith.constant 0 : i32
    %dma_start3A_4 = tpu.memref_slice %arg5[%dma_start3A, %dma_start3A_3] : memref<128x50xi32, #tpu.memory_space<vmem>> -> memref<1x50xi32, #tpu.memory_space<vmem>>
    %dma_start3A_5 = tpu.memref_squeeze %dma_start3A_4 : memref<1x50xi32, #tpu.memory_space<vmem>> -> memref<50xi32, #tpu.memory_space<vmem>>
    %dma_start3A_6 = arith.constant 0 : i32
    %dma_start3A_7 = arith.constant 0 : i32
    %dma_start3A_8 = tpu.memref_slice %arg3[%dma_start3A_6, %dma_start3A_7] : memref<100000x256xf32, #tpu.memory_space<hbm>> -> memref<100000x256xf32, #tpu.memory_space<hbm>>
    tpu.enqueue_indirect_dma source(%dma_start3A_8 : memref<100000x256xf32, #tpu.memory_space<hbm>>) target(%arg6 : memref<50x256xf32, #tpu.memory_space<vmem>>) offsets(%dma_start3A_5 : memref<50xi32, #tpu.memory_space<vmem>>) semaphore(%arg9 : memref<!tpu.dma_semaphore, #tpu.memory_space<semaphore_mem>>)
    %dma_start3A_9 = arith.constant 1 : i32
    %dma_start3A_10 = arith.constant 0 : i32
    %dma_start3A_11 = tpu.memref_slice %arg5[%dma_start3A_9, %dma_start3A_10] : memref<128x50xi32, #tpu.memory_space<vmem>> -> memref<1x50xi32, #tpu.memory_space<vmem>>
    %dma_start3A_12 = tpu.memref_squeeze %dma_start3A_11 : memref<1x50xi32, #tpu.memory_space<vmem>> -> memref<50xi32, #tpu.memory_space<vmem>>
    %dma_start3A_13 = arith.constant 0 : i32
    %dma_start3A_14 = arith.constant 0 : i32
    %dma_start3A_15 = tpu.memref_slice %arg3[%dma_start3A_13, %dma_start3A_14] : memref<100000x256xf32, #tpu.memory_space<hbm>> -> memref<100000x256xf32, #tpu.memory_space<hbm>>
    tpu.enqueue_indirect_dma source(%dma_start3A_15 : memref<100000x256xf32, #tpu.memory_space<hbm>>) target(%arg7 : memref<50x256xf32, #tpu.memory_space<vmem>>) offsets(%dma_start3A_12 : memref<50xi32, #tpu.memory_space<vmem>>) semaphore(%arg10 : memref<!tpu.dma_semaphore, #tpu.memory_space<semaphore_mem>>)
    %scan3A = arith.constant 0 : i32
    %scan3A_16 = arith.constant 0 : i32
    %scan3A_17 = arith.constant 64 : i32
    %scan3A_18 = arith.addi %scan3A_16, %scan3A_17 : i32
    %scan3A_19 = arith.constant 1 : i32
    scf.for %scan3A_21 = %scan3A_16 to %scan3A_18 step %scan3A_19  : i32 {
      %mul3A_22 = arith.constant 2 : i32
      %mul3A_23 = arith.muli %mul3A_22, %scan3A_21 : i32
      %dma_wait3A = arith.constant 0 : i32
      %dma_wait3A_24 = tpu.memref_slice %arg5[%mul3A_23, %dma_wait3A] : memref<128x50xi32, #tpu.memory_space<vmem>> -> memref<1x50xi32, #tpu.memory_space<vmem>>
      %dma_wait3A_25 = tpu.memref_squeeze %dma_wait3A_24 : memref<1x50xi32, #tpu.memory_space<vmem>> -> memref<50xi32, #tpu.memory_space<vmem>>
      %dma_wait3A_26 = arith.constant 0 : i32
      %dma_wait3A_27 = arith.constant 0 : i32
      %dma_wait3A_28 = tpu.memref_slice %arg3[%dma_wait3A_26, %dma_wait3A_27] : memref<100000x256xf32, #tpu.memory_space<hbm>> -> memref<100000x256xf32, #tpu.memory_space<hbm>>
      tpu.wait_indirect_dma semaphore(%arg9 : memref<!tpu.dma_semaphore, #tpu.memory_space<semaphore_mem>>) src(%dma_wait3A_28 : memref<100000x256xf32, #tpu.memory_space<hbm>>) dst(%arg6 : memref<50x256xf32, #tpu.memory_space<vmem>>)
      %broadcast_in_dim3A = arith.constant 0.000000e+00 : f32
      %broadcast_in_dim3A_29 = vector.broadcast %broadcast_in_dim3A : f32 to vector<16xf32>
      %scan3A_30 = arith.constant 0 : i32
      %scan3A_31 = arith.constant 50 : i32
      %scan3A_32 = arith.addi %scan3A_30, %scan3A_31 : i32
      %scan3A_33 = arith.constant 1 : i32
      %scan3A_34:16 = scf.for %scan3A_224 = %scan3A_30 to %scan3A_32 step %scan3A_33 iter_args(%scan3A_225 = %broadcast_in_dim3A_29, %scan3A_226 = %broadcast_in_dim3A_29, %scan3A_227 = %broadcast_in_dim3A_29, %scan3A_228 = %broadcast_in_dim3A_29, %scan3A_229 = %broadcast_in_dim3A_29, %scan3A_230 = %broadcast_in_dim3A_29, %scan3A_231 = %broadcast_in_dim3A_29, %scan3A_232 = %broadcast_in_dim3A_29, %scan3A_233 = %broadcast_in_dim3A_29, %scan3A_234 = %broadcast_in_dim3A_29, %scan3A_235 = %broadcast_in_dim3A_29, %scan3A_236 = %broadcast_in_dim3A_29, %scan3A_237 = %broadcast_in_dim3A_29, %scan3A_238 = %broadcast_in_dim3A_29, %scan3A_239 = %broadcast_in_dim3A_29, %scan3A_240 = %broadcast_in_dim3A_29) -> (vector<16xf32>, vector<16xf32>, vector<16xf32>, vector<16xf32>, vector<16xf32>, vector<16xf32>, vector<16xf32>, vector<16xf32>, vector<16xf32>, vector<16xf32>, vector<16xf32>, vector<16xf32>, vector<16xf32>, vector<16xf32>, vector<16xf32>, vector<16xf32>)  : i32 {
        %get3A = arith.index_cast %scan3A_224 : i32 to index
        %get3A_241 = arith.constant 0 : index
        %get3A_242 = tpu.vector_load %arg6[%get3A, %get3A_241] {strides = array<i32>} : memref<50x256xf32, #tpu.memory_space<vmem>>, vector<1x16xf32>,
        %get3A_243 = vector.shape_cast %get3A_242 : vector<1x16xf32> to vector<16xf32>
        %add3A_244 = arith.addf %scan3A_225, %get3A_243 : vector<16xf32>
        %get3A_245 = arith.index_cast %scan3A_224 : i32 to index
        %get3A_246 = arith.constant 16 : index
        %get3A_247 = tpu.vector_load %arg6[%get3A_245, %get3A_246] {strides = array<i32>} : memref<50x256xf32, #tpu.memory_space<vmem>>, vector<1x16xf32>,
        %get3A_248 = vector.shape_cast %get3A_247 : vector<1x16xf32> to vector<16xf32>
        %add3A_249 = arith.addf %scan3A_226, %get3A_248 : vector<16xf32>
        %get3A_250 = arith.index_cast %scan3A_224 : i32 to index
        %get3A_251 = arith.constant 32 : index
        %get3A_252 = tpu.vector_load %arg6[%get3A_250, %get3A_251] {strides = array<i32>} : memref<50x256xf32, #tpu.memory_space<vmem>>, vector<1x16xf32>,
        %get3A_253 = vector.shape_cast %get3A_252 : vector<1x16xf32> to vector<16xf32>
        %add3A_254 = arith.addf %scan3A_227, %get3A_253 : vector<16xf32>
        %get3A_255 = arith.index_cast %scan3A_224 : i32 to index
        %get3A_256 = arith.constant 48 : index
        %get3A_257 = tpu.vector_load %arg6[%get3A_255, %get3A_256] {strides = array<i32>} : memref<50x256xf32, #tpu.memory_space<vmem>>, vector<1x16xf32>,
        %get3A_258 = vector.shape_cast %get3A_257 : vector<1x16xf32> to vector<16xf32>
        %add3A_259 = arith.addf %scan3A_228, %get3A_258 : vector<16xf32>
        %get3A_260 = arith.index_cast %scan3A_224 : i32 to index
        %get3A_261 = arith.constant 64 : index
        %get3A_262 = tpu.vector_load %arg6[%get3A_260, %get3A_261] {strides = array<i32>} : memref<50x256xf32, #tpu.memory_space<vmem>>, vector<1x16xf32>,
        %get3A_263 = vector.shape_cast %get3A_262 : vector<1x16xf32> to vector<16xf32>
        %add3A_264 = arith.addf %scan3A_229, %get3A_263 : vector<16xf32>
        %get3A_265 = arith.index_cast %scan3A_224 : i32 to index
        %get3A_266 = arith.constant 80 : index
        %get3A_267 = tpu.vector_load %arg6[%get3A_265, %get3A_266] {strides = array<i32>} : memref<50x256xf32, #tpu.memory_space<vmem>>, vector<1x16xf32>,
        %get3A_268 = vector.shape_cast %get3A_267 : vector<1x16xf32> to vector<16xf32>
        %add3A_269 = arith.addf %scan3A_230, %get3A_268 : vector<16xf32>
        %get3A_270 = arith.index_cast %scan3A_224 : i32 to index
        %get3A_271 = arith.constant 96 : index
        %get3A_272 = tpu.vector_load %arg6[%get3A_270, %get3A_271] {strides = array<i32>} : memref<50x256xf32, #tpu.memory_space<vmem>>, vector<1x16xf32>,
        %get3A_273 = vector.shape_cast %get3A_272 : vector<1x16xf32> to vector<16xf32>
        %add3A_274 = arith.addf %scan3A_231, %get3A_273 : vector<16xf32>
        %get3A_275 = arith.index_cast %scan3A_224 : i32 to index
        %get3A_276 = arith.constant 112 : index
        %get3A_277 = tpu.vector_load %arg6[%get3A_275, %get3A_276] {strides = array<i32>} : memref<50x256xf32, #tpu.memory_space<vmem>>, vector<1x16xf32>,
        %get3A_278 = vector.shape_cast %get3A_277 : vector<1x16xf32> to vector<16xf32>
        %add3A_279 = arith.addf %scan3A_232, %get3A_278 : vector<16xf32>
        %get3A_280 = arith.index_cast %scan3A_224 : i32 to index
        %get3A_281 = arith.constant 128 : index
        %get3A_282 = tpu.vector_load %arg6[%get3A_280, %get3A_281] {strides = array<i32>} : memref<50x256xf32, #tpu.memory_space<vmem>>, vector<1x16xf32>,
        %get3A_283 = vector.shape_cast %get3A_282 : vector<1x16xf32> to vector<16xf32>
        %add3A_284 = arith.addf %scan3A_233, %get3A_283 : vector<16xf32>
        %get3A_285 = arith.index_cast %scan3A_224 : i32 to index
        %get3A_286 = arith.constant 144 : index
        %get3A_287 = tpu.vector_load %arg6[%get3A_285, %get3A_286] {strides = array<i32>} : memref<50x256xf32, #tpu.memory_space<vmem>>, vector<1x16xf32>,
        %get3A_288 = vector.shape_cast %get3A_287 : vector<1x16xf32> to vector<16xf32>
        %add3A_289 = arith.addf %scan3A_234, %get3A_288 : vector<16xf32>
        %get3A_290 = arith.index_cast %scan3A_224 : i32 to index
        %get3A_291 = arith.constant 160 : index
        %get3A_292 = tpu.vector_load %arg6[%get3A_290, %get3A_291] {strides = array<i32>} : memref<50x256xf32, #tpu.memory_space<vmem>>, vector<1x16xf32>,
        %get3A_293 = vector.shape_cast %get3A_292 : vector<1x16xf32> to vector<16xf32>
        %add3A_294 = arith.addf %scan3A_235, %get3A_293 : vector<16xf32>
        %get3A_295 = arith.index_cast %scan3A_224 : i32 to index
        %get3A_296 = arith.constant 176 : index
        %get3A_297 = tpu.vector_load %arg6[%get3A_295, %get3A_296] {strides = array<i32>} : memref<50x256xf32, #tpu.memory_space<vmem>>, vector<1x16xf32>,
        %get3A_298 = vector.shape_cast %get3A_297 : vector<1x16xf32> to vector<16xf32>
        %add3A_299 = arith.addf %scan3A_236, %get3A_298 : vector<16xf32>
        %get3A_300 = arith.index_cast %scan3A_224 : i32 to index
        %get3A_301 = arith.constant 192 : index
        %get3A_302 = tpu.vector_load %arg6[%get3A_300, %get3A_301] {strides = array<i32>} : memref<50x256xf32, #tpu.memory_space<vmem>>, vector<1x16xf32>,
        %get3A_303 = vector.shape_cast %get3A_302 : vector<1x16xf32> to vector<16xf32>
        %add3A_304 = arith.addf %scan3A_237, %get3A_303 : vector<16xf32>
        %get3A_305 = arith.index_cast %scan3A_224 : i32 to index
        %get3A_306 = arith.constant 208 : index
        %get3A_307 = tpu.vector_load %arg6[%get3A_305, %get3A_306] {strides = array<i32>} : memref<50x256xf32, #tpu.memory_space<vmem>>, vector<1x16xf32>,
        %get3A_308 = vector.shape_cast %get3A_307 : vector<1x16xf32> to vector<16xf32>
        %add3A_309 = arith.addf %scan3A_238, %get3A_308 : vector<16xf32>
        %get3A_310 = arith.index_cast %scan3A_224 : i32 to index
        %get3A_311 = arith.constant 224 : index
        %get3A_312 = tpu.vector_load %arg6[%get3A_310, %get3A_311] {strides = array<i32>} : memref<50x256xf32, #tpu.memory_space<vmem>>, vector<1x16xf32>,
        %get3A_313 = vector.shape_cast %get3A_312 : vector<1x16xf32> to vector<16xf32>
        %add3A_314 = arith.addf %scan3A_239, %get3A_313 : vector<16xf32>
        %get3A_315 = arith.index_cast %scan3A_224 : i32 to index
        %get3A_316 = arith.constant 240 : index
        %get3A_317 = tpu.vector_load %arg6[%get3A_315, %get3A_316] {strides = array<i32>} : memref<50x256xf32, #tpu.memory_space<vmem>>, vector<1x16xf32>,
        %get3A_318 = vector.shape_cast %get3A_317 : vector<1x16xf32> to vector<16xf32>
        %add3A_319 = arith.addf %scan3A_240, %get3A_318 : vector<16xf32>
        scf.yield %add3A_244, %add3A_249, %add3A_254, %add3A_259, %add3A_264, %add3A_269, %add3A_274, %add3A_279, %add3A_284, %add3A_289, %add3A_294, %add3A_299, %add3A_304, %add3A_309, %add3A_314, %add3A_319 : vector<16xf32>, vector<16xf32>, vector<16xf32>, vector<16xf32>, vector<16xf32>, vector<16xf32>, vector<16xf32>, vector<16xf32>, vector<16xf32>, vector<16xf32>, vector<16xf32>, vector<16xf32>, vector<16xf32>, vector<16xf32>, vector<16xf32>, vector<16xf32>
      }
      %scan3A_35 = arith.constant 50 : i32
      %swap3A = arith.index_cast %mul3A_23 : i32 to index
      %swap3A_36 = arith.constant 0 : index
      %swap3A_37 = tpu.vector_load %arg8[%swap3A, %swap3A_36] {strides = array<i32>} : memref<128x256xf32, #tpu.memory_space<vmem>>, vector<1x16xf32>,
      %swap3A_38 = vector.shape_cast %swap3A_37 : vector<1x16xf32> to vector<16xf32>
      %swap3A_39 = vector.shape_cast %scan3A_34#0 : vector<16xf32> to vector<1x16xf32>
      tpu.vector_store %arg8[%swap3A, %swap3A_36], %swap3A_39 {strides = array<i32>} : memref<128x256xf32, #tpu.memory_space<vmem>>, vector<1x16xf32>,
      %swap3A_40 = arith.index_cast %mul3A_23 : i32 to index
      %swap3A_41 = arith.constant 16 : index
      %swap3A_42 = tpu.vector_load %arg8[%swap3A_40, %swap3A_41] {strides = array<i32>} : memref<128x256xf32, #tpu.memory_space<vmem>>, vector<1x16xf32>,
      %swap3A_43 = vector.shape_cast %swap3A_42 : vector<1x16xf32> to vector<16xf32>
      %swap3A_44 = vector.shape_cast %scan3A_34#1 : vector<16xf32> to vector<1x16xf32>
      tpu.vector_store %arg8[%swap3A_40, %swap3A_41], %swap3A_44 {strides = array<i32>} : memref<128x256xf32, #tpu.memory_space<vmem>>, vector<1x16xf32>,
      %swap3A_45 = arith.index_cast %mul3A_23 : i32 to index
      %swap3A_46 = arith.constant 32 : index
      %swap3A_47 = tpu.vector_load %arg8[%swap3A_45, %swap3A_46] {strides = array<i32>} : memref<128x256xf32, #tpu.memory_space<vmem>>, vector<1x16xf32>,
      %swap3A_48 = vector.shape_cast %swap3A_47 : vector<1x16xf32> to vector<16xf32>
      %swap3A_49 = vector.shape_cast %scan3A_34#2 : vector<16xf32> to vector<1x16xf32>
      tpu.vector_store %arg8[%swap3A_45, %swap3A_46], %swap3A_49 {strides = array<i32>} : memref<128x256xf32, #tpu.memory_space<vmem>>, vector<1x16xf32>,
      %swap3A_50 = arith.index_cast %mul3A_23 : i32 to index
      %swap3A_51 = arith.constant 48 : index
      %swap3A_52 = tpu.vector_load %arg8[%swap3A_50, %swap3A_51] {strides = array<i32>} : memref<128x256xf32, #tpu.memory_space<vmem>>, vector<1x16xf32>,
      %swap3A_53 = vector.shape_cast %swap3A_52 : vector<1x16xf32> to vector<16xf32>
      %swap3A_54 = vector.shape_cast %scan3A_34#3 : vector<16xf32> to vector<1x16xf32>
      tpu.vector_store %arg8[%swap3A_50, %swap3A_51], %swap3A_54 {strides = array<i32>} : memref<128x256xf32, #tpu.memory_space<vmem>>, vector<1x16xf32>,
      %swap3A_55 = arith.index_cast %mul3A_23 : i32 to index
      %swap3A_56 = arith.constant 64 : index
      %swap3A_57 = tpu.vector_load %arg8[%swap3A_55, %swap3A_56] {strides = array<i32>} : memref<128x256xf32, #tpu.memory_space<vmem>>, vector<1x16xf32>,
      %swap3A_58 = vector.shape_cast %swap3A_57 : vector<1x16xf32> to vector<16xf32>
      %swap3A_59 = vector.shape_cast %scan3A_34#4 : vector<16xf32> to vector<1x16xf32>
      tpu.vector_store %arg8[%swap3A_55, %swap3A_56], %swap3A_59 {strides = array<i32>} : memref<128x256xf32, #tpu.memory_space<vmem>>, vector<1x16xf32>,
      %swap3A_60 = arith.index_cast %mul3A_23 : i32 to index
      %swap3A_61 = arith.constant 80 : index
      %swap3A_62 = tpu.vector_load %arg8[%swap3A_60, %swap3A_61] {strides = array<i32>} : memref<128x256xf32, #tpu.memory_space<vmem>>, vector<1x16xf32>,
      %swap3A_63 = vector.shape_cast %swap3A_62 : vector<1x16xf32> to vector<16xf32>
      %swap3A_64 = vector.shape_cast %scan3A_34#5 : vector<16xf32> to vector<1x16xf32>
      tpu.vector_store %arg8[%swap3A_60, %swap3A_61], %swap3A_64 {strides = array<i32>} : memref<128x256xf32, #tpu.memory_space<vmem>>, vector<1x16xf32>,
      %swap3A_65 = arith.index_cast %mul3A_23 : i32 to index
      %swap3A_66 = arith.constant 96 : index
      %swap3A_67 = tpu.vector_load %arg8[%swap3A_65, %swap3A_66] {strides = array<i32>} : memref<128x256xf32, #tpu.memory_space<vmem>>, vector<1x16xf32>,
      %swap3A_68 = vector.shape_cast %swap3A_67 : vector<1x16xf32> to vector<16xf32>
      %swap3A_69 = vector.shape_cast %scan3A_34#6 : vector<16xf32> to vector<1x16xf32>
      tpu.vector_store %arg8[%swap3A_65, %swap3A_66], %swap3A_69 {strides = array<i32>} : memref<128x256xf32, #tpu.memory_space<vmem>>, vector<1x16xf32>,
      %swap3A_70 = arith.index_cast %mul3A_23 : i32 to index
      %swap3A_71 = arith.constant 112 : index
      %swap3A_72 = tpu.vector_load %arg8[%swap3A_70, %swap3A_71] {strides = array<i32>} : memref<128x256xf32, #tpu.memory_space<vmem>>, vector<1x16xf32>,
      %swap3A_73 = vector.shape_cast %swap3A_72 : vector<1x16xf32> to vector<16xf32>
      %swap3A_74 = vector.shape_cast %scan3A_34#7 : vector<16xf32> to vector<1x16xf32>
      tpu.vector_store %arg8[%swap3A_70, %swap3A_71], %swap3A_74 {strides = array<i32>} : memref<128x256xf32, #tpu.memory_space<vmem>>, vector<1x16xf32>,
      %swap3A_75 = arith.index_cast %mul3A_23 : i32 to index
      %swap3A_76 = arith.constant 128 : index
      %swap3A_77 = tpu.vector_load %arg8[%swap3A_75, %swap3A_76] {strides = array<i32>} : memref<128x256xf32, #tpu.memory_space<vmem>>, vector<1x16xf32>,
      %swap3A_78 = vector.shape_cast %swap3A_77 : vector<1x16xf32> to vector<16xf32>
      %swap3A_79 = vector.shape_cast %scan3A_34#8 : vector<16xf32> to vector<1x16xf32>
      tpu.vector_store %arg8[%swap3A_75, %swap3A_76], %swap3A_79 {strides = array<i32>} : memref<128x256xf32, #tpu.memory_space<vmem>>, vector<1x16xf32>,
      %swap3A_80 = arith.index_cast %mul3A_23 : i32 to index
      %swap3A_81 = arith.constant 144 : index
      %swap3A_82 = tpu.vector_load %arg8[%swap3A_80, %swap3A_81] {strides = array<i32>} : memref<128x256xf32, #tpu.memory_space<vmem>>, vector<1x16xf32>,
      %swap3A_83 = vector.shape_cast %swap3A_82 : vector<1x16xf32> to vector<16xf32>
      %swap3A_84 = vector.shape_cast %scan3A_34#9 : vector<16xf32> to vector<1x16xf32>
      tpu.vector_store %arg8[%swap3A_80, %swap3A_81], %swap3A_84 {strides = array<i32>} : memref<128x256xf32, #tpu.memory_space<vmem>>, vector<1x16xf32>,
      %swap3A_85 = arith.index_cast %mul3A_23 : i32 to index
      %swap3A_86 = arith.constant 160 : index
      %swap3A_87 = tpu.vector_load %arg8[%swap3A_85, %swap3A_86] {strides = array<i32>} : memref<128x256xf32, #tpu.memory_space<vmem>>, vector<1x16xf32>,
      %swap3A_88 = vector.shape_cast %swap3A_87 : vector<1x16xf32> to vector<16xf32>
      %swap3A_89 = vector.shape_cast %scan3A_34#10 : vector<16xf32> to vector<1x16xf32>
      tpu.vector_store %arg8[%swap3A_85, %swap3A_86], %swap3A_89 {strides = array<i32>} : memref<128x256xf32, #tpu.memory_space<vmem>>, vector<1x16xf32>,
      %swap3A_90 = arith.index_cast %mul3A_23 : i32 to index
      %swap3A_91 = arith.constant 176 : index
      %swap3A_92 = tpu.vector_load %arg8[%swap3A_90, %swap3A_91] {strides = array<i32>} : memref<128x256xf32, #tpu.memory_space<vmem>>, vector<1x16xf32>,
      %swap3A_93 = vector.shape_cast %swap3A_92 : vector<1x16xf32> to vector<16xf32>
      %swap3A_94 = vector.shape_cast %scan3A_34#11 : vector<16xf32> to vector<1x16xf32>
      tpu.vector_store %arg8[%swap3A_90, %swap3A_91], %swap3A_94 {strides = array<i32>} : memref<128x256xf32, #tpu.memory_space<vmem>>, vector<1x16xf32>,
      %swap3A_95 = arith.index_cast %mul3A_23 : i32 to index
      %swap3A_96 = arith.constant 192 : index
      %swap3A_97 = tpu.vector_load %arg8[%swap3A_95, %swap3A_96] {strides = array<i32>} : memref<128x256xf32, #tpu.memory_space<vmem>>, vector<1x16xf32>,
      %swap3A_98 = vector.shape_cast %swap3A_97 : vector<1x16xf32> to vector<16xf32>
      %swap3A_99 = vector.shape_cast %scan3A_34#12 : vector<16xf32> to vector<1x16xf32>
      tpu.vector_store %arg8[%swap3A_95, %swap3A_96], %swap3A_99 {strides = array<i32>} : memref<128x256xf32, #tpu.memory_space<vmem>>, vector<1x16xf32>,
      %swap3A_100 = arith.index_cast %mul3A_23 : i32 to index
      %swap3A_101 = arith.constant 208 : index
      %swap3A_102 = tpu.vector_load %arg8[%swap3A_100, %swap3A_101] {strides = array<i32>} : memref<128x256xf32, #tpu.memory_space<vmem>>, vector<1x16xf32>,
      %swap3A_103 = vector.shape_cast %swap3A_102 : vector<1x16xf32> to vector<16xf32>
      %swap3A_104 = vector.shape_cast %scan3A_34#13 : vector<16xf32> to vector<1x16xf32>
      tpu.vector_store %arg8[%swap3A_100, %swap3A_101], %swap3A_104 {strides = array<i32>} : memref<128x256xf32, #tpu.memory_space<vmem>>, vector<1x16xf32>,
      %swap3A_105 = arith.index_cast %mul3A_23 : i32 to index
      %swap3A_106 = arith.constant 224 : index
      %swap3A_107 = tpu.vector_load %arg8[%swap3A_105, %swap3A_106] {strides = array<i32>} : memref<128x256xf32, #tpu.memory_space<vmem>>, vector<1x16xf32>,
      %swap3A_108 = vector.shape_cast %swap3A_107 : vector<1x16xf32> to vector<16xf32>
      %swap3A_109 = vector.shape_cast %scan3A_34#14 : vector<16xf32> to vector<1x16xf32>
      tpu.vector_store %arg8[%swap3A_105, %swap3A_106], %swap3A_109 {strides = array<i32>} : memref<128x256xf32, #tpu.memory_space<vmem>>, vector<1x16xf32>,
      %swap3A_110 = arith.index_cast %mul3A_23 : i32 to index
      %swap3A_111 = arith.constant 240 : index
      %swap3A_112 = tpu.vector_load %arg8[%swap3A_110, %swap3A_111] {strides = array<i32>} : memref<128x256xf32, #tpu.memory_space<vmem>>, vector<1x16xf32>,
      %swap3A_113 = vector.shape_cast %swap3A_112 : vector<1x16xf32> to vector<16xf32>
      %swap3A_114 = vector.shape_cast %scan3A_34#15 : vector<16xf32> to vector<1x16xf32>
      tpu.vector_store %arg8[%swap3A_110, %swap3A_111], %swap3A_114 {strides = array<i32>} : memref<128x256xf32, #tpu.memory_space<vmem>>, vector<1x16xf32>,
      %add3A_115 = arith.constant 2 : i32
      %add3A_116 = arith.addi %mul3A_23, %add3A_115 : i32
      %lt3A = arith.constant 128 : i32
      %lt3A_117 = arith.cmpi slt, %add3A_116, %lt3A : i32
      %convert_element_type3A = arith.extui %lt3A_117 : i1 to i32
      %cond3A = arith.constant 0 : i32
      %cond3A_118 = arith.cmpi ne, %convert_element_type3A, %cond3A : i32
      scf.if %cond3A_118 {
        %add3A_224 = arith.constant 2 : i32
        %add3A_225 = arith.addi %mul3A_23, %add3A_224 : i32
        %dma_start3A_226 = arith.constant 0 : i32
        %dma_start3A_227 = tpu.memref_slice %arg5[%add3A_225, %dma_start3A_226] : memref<128x50xi32, #tpu.memory_space<vmem>> -> memref<1x50xi32, #tpu.memory_space<vmem>>
        %dma_start3A_228 = tpu.memref_squeeze %dma_start3A_227 : memref<1x50xi32, #tpu.memory_space<vmem>> -> memref<50xi32, #tpu.memory_space<vmem>>
        %dma_start3A_229 = arith.constant 0 : i32
        %dma_start3A_230 = arith.constant 0 : i32
        %dma_start3A_231 = tpu.memref_slice %arg3[%dma_start3A_229, %dma_start3A_230] : memref<100000x256xf32, #tpu.memory_space<hbm>> -> memref<100000x256xf32, #tpu.memory_space<hbm>>
        tpu.enqueue_indirect_dma source(%dma_start3A_231 : memref<100000x256xf32, #tpu.memory_space<hbm>>) target(%arg6 : memref<50x256xf32, #tpu.memory_space<vmem>>) offsets(%dma_start3A_228 : memref<50xi32, #tpu.memory_space<vmem>>) semaphore(%arg9 : memref<!tpu.dma_semaphore, #tpu.memory_space<semaphore_mem>>)
      } else {
      }
      %add3A_119 = arith.constant 1 : i32
      %add3A_120 = arith.addi %mul3A_23, %add3A_119 : i32
      %dma_wait3A_121 = arith.constant 0 : i32
      %dma_wait3A_122 = tpu.memref_slice %arg5[%add3A_120, %dma_wait3A_121] : memref<128x50xi32, #tpu.memory_space<vmem>> -> memref<1x50xi32, #tpu.memory_space<vmem>>
      %dma_wait3A_123 = tpu.memref_squeeze %dma_wait3A_122 : memref<1x50xi32, #tpu.memory_space<vmem>> -> memref<50xi32, #tpu.memory_space<vmem>>
      %dma_wait3A_124 = arith.constant 0 : i32
      %dma_wait3A_125 = arith.constant 0 : i32
      %dma_wait3A_126 = tpu.memref_slice %arg3[%dma_wait3A_124, %dma_wait3A_125] : memref<100000x256xf32, #tpu.memory_space<hbm>> -> memref<100000x256xf32, #tpu.memory_space<hbm>>
      tpu.wait_indirect_dma semaphore(%arg10 : memref<!tpu.dma_semaphore, #tpu.memory_space<semaphore_mem>>) src(%dma_wait3A_126 : memref<100000x256xf32, #tpu.memory_space<hbm>>) dst(%arg7 : memref<50x256xf32, #tpu.memory_space<vmem>>)
      %add3A_127 = arith.constant 1 : i32
      %add3A_128 = arith.addi %mul3A_23, %add3A_127 : i32
      %broadcast_in_dim3A_129 = arith.constant 0.000000e+00 : f32
      %broadcast_in_dim3A_130 = vector.broadcast %broadcast_in_dim3A_129 : f32 to vector<16xf32>
      %scan3A_131 = arith.constant 0 : i32
      %scan3A_132 = arith.constant 50 : i32
      %scan3A_133 = arith.addi %scan3A_131, %scan3A_132 : i32
      %scan3A_134 = arith.constant 1 : i32
      %scan3A_135:16 = scf.for %scan3A_224 = %scan3A_131 to %scan3A_133 step %scan3A_134 iter_args(%scan3A_225 = %broadcast_in_dim3A_130, %scan3A_226 = %broadcast_in_dim3A_130, %scan3A_227 = %broadcast_in_dim3A_130, %scan3A_228 = %broadcast_in_dim3A_130, %scan3A_229 = %broadcast_in_dim3A_130, %scan3A_230 = %broadcast_in_dim3A_130, %scan3A_231 = %broadcast_in_dim3A_130, %scan3A_232 = %broadcast_in_dim3A_130, %scan3A_233 = %broadcast_in_dim3A_130, %scan3A_234 = %broadcast_in_dim3A_130, %scan3A_235 = %broadcast_in_dim3A_130, %scan3A_236 = %broadcast_in_dim3A_130, %scan3A_237 = %broadcast_in_dim3A_130, %scan3A_238 = %broadcast_in_dim3A_130, %scan3A_239 = %broadcast_in_dim3A_130, %scan3A_240 = %broadcast_in_dim3A_130) -> (vector<16xf32>, vector<16xf32>, vector<16xf32>, vector<16xf32>, vector<16xf32>, vector<16xf32>, vector<16xf32>, vector<16xf32>, vector<16xf32>, vector<16xf32>, vector<16xf32>, vector<16xf32>, vector<16xf32>, vector<16xf32>, vector<16xf32>, vector<16xf32>)  : i32 {
        %get3A = arith.index_cast %scan3A_224 : i32 to index
        %get3A_241 = arith.constant 0 : index
        %get3A_242 = tpu.vector_load %arg7[%get3A, %get3A_241] {strides = array<i32>} : memref<50x256xf32, #tpu.memory_space<vmem>>, vector<1x16xf32>,
        %get3A_243 = vector.shape_cast %get3A_242 : vector<1x16xf32> to vector<16xf32>
        %add3A_244 = arith.addf %scan3A_225, %get3A_243 : vector<16xf32>
        %get3A_245 = arith.index_cast %scan3A_224 : i32 to index
        %get3A_246 = arith.constant 16 : index
        %get3A_247 = tpu.vector_load %arg7[%get3A_245, %get3A_246] {strides = array<i32>} : memref<50x256xf32, #tpu.memory_space<vmem>>, vector<1x16xf32>,
        %get3A_248 = vector.shape_cast %get3A_247 : vector<1x16xf32> to vector<16xf32>
        %add3A_249 = arith.addf %scan3A_226, %get3A_248 : vector<16xf32>
        %get3A_250 = arith.index_cast %scan3A_224 : i32 to index
        %get3A_251 = arith.constant 32 : index
        %get3A_252 = tpu.vector_load %arg7[%get3A_250, %get3A_251] {strides = array<i32>} : memref<50x256xf32, #tpu.memory_space<vmem>>, vector<1x16xf32>,
        %get3A_253 = vector.shape_cast %get3A_252 : vector<1x16xf32> to vector<16xf32>
        %add3A_254 = arith.addf %scan3A_227, %get3A_253 : vector<16xf32>
        %get3A_255 = arith.index_cast %scan3A_224 : i32 to index
        %get3A_256 = arith.constant 48 : index
        %get3A_257 = tpu.vector_load %arg7[%get3A_255, %get3A_256] {strides = array<i32>} : memref<50x256xf32, #tpu.memory_space<vmem>>, vector<1x16xf32>,
        %get3A_258 = vector.shape_cast %get3A_257 : vector<1x16xf32> to vector<16xf32>
        %add3A_259 = arith.addf %scan3A_228, %get3A_258 : vector<16xf32>
        %get3A_260 = arith.index_cast %scan3A_224 : i32 to index
        %get3A_261 = arith.constant 64 : index
        %get3A_262 = tpu.vector_load %arg7[%get3A_260, %get3A_261] {strides = array<i32>} : memref<50x256xf32, #tpu.memory_space<vmem>>, vector<1x16xf32>,
        %get3A_263 = vector.shape_cast %get3A_262 : vector<1x16xf32> to vector<16xf32>
        %add3A_264 = arith.addf %scan3A_229, %get3A_263 : vector<16xf32>
        %get3A_265 = arith.index_cast %scan3A_224 : i32 to index
        %get3A_266 = arith.constant 80 : index
        %get3A_267 = tpu.vector_load %arg7[%get3A_265, %get3A_266] {strides = array<i32>} : memref<50x256xf32, #tpu.memory_space<vmem>>, vector<1x16xf32>,
        %get3A_268 = vector.shape_cast %get3A_267 : vector<1x16xf32> to vector<16xf32>
        %add3A_269 = arith.addf %scan3A_230, %get3A_268 : vector<16xf32>
        %get3A_270 = arith.index_cast %scan3A_224 : i32 to index
        %get3A_271 = arith.constant 96 : index
        %get3A_272 = tpu.vector_load %arg7[%get3A_270, %get3A_271] {strides = array<i32>} : memref<50x256xf32, #tpu.memory_space<vmem>>, vector<1x16xf32>,
        %get3A_273 = vector.shape_cast %get3A_272 : vector<1x16xf32> to vector<16xf32>
        %add3A_274 = arith.addf %scan3A_231, %get3A_273 : vector<16xf32>
        %get3A_275 = arith.index_cast %scan3A_224 : i32 to index
        %get3A_276 = arith.constant 112 : index
        %get3A_277 = tpu.vector_load %arg7[%get3A_275, %get3A_276] {strides = array<i32>} : memref<50x256xf32, #tpu.memory_space<vmem>>, vector<1x16xf32>,
        %get3A_278 = vector.shape_cast %get3A_277 : vector<1x16xf32> to vector<16xf32>
        %add3A_279 = arith.addf %scan3A_232, %get3A_278 : vector<16xf32>
        %get3A_280 = arith.index_cast %scan3A_224 : i32 to index
        %get3A_281 = arith.constant 128 : index
        %get3A_282 = tpu.vector_load %arg7[%get3A_280, %get3A_281] {strides = array<i32>} : memref<50x256xf32, #tpu.memory_space<vmem>>, vector<1x16xf32>,
        %get3A_283 = vector.shape_cast %get3A_282 : vector<1x16xf32> to vector<16xf32>
        %add3A_284 = arith.addf %scan3A_233, %get3A_283 : vector<16xf32>
        %get3A_285 = arith.index_cast %scan3A_224 : i32 to index
        %get3A_286 = arith.constant 144 : index
        %get3A_287 = tpu.vector_load %arg7[%get3A_285, %get3A_286] {strides = array<i32>} : memref<50x256xf32, #tpu.memory_space<vmem>>, vector<1x16xf32>,
        %get3A_288 = vector.shape_cast %get3A_287 : vector<1x16xf32> to vector<16xf32>
        %add3A_289 = arith.addf %scan3A_234, %get3A_288 : vector<16xf32>
        %get3A_290 = arith.index_cast %scan3A_224 : i32 to index
        %get3A_291 = arith.constant 160 : index
        %get3A_292 = tpu.vector_load %arg7[%get3A_290, %get3A_291] {strides = array<i32>} : memref<50x256xf32, #tpu.memory_space<vmem>>, vector<1x16xf32>,
        %get3A_293 = vector.shape_cast %get3A_292 : vector<1x16xf32> to vector<16xf32>
        %add3A_294 = arith.addf %scan3A_235, %get3A_293 : vector<16xf32>
        %get3A_295 = arith.index_cast %scan3A_224 : i32 to index
        %get3A_296 = arith.constant 176 : index
        %get3A_297 = tpu.vector_load %arg7[%get3A_295, %get3A_296] {strides = array<i32>} : memref<50x256xf32, #tpu.memory_space<vmem>>, vector<1x16xf32>,
        %get3A_298 = vector.shape_cast %get3A_297 : vector<1x16xf32> to vector<16xf32>
        %add3A_299 = arith.addf %scan3A_236, %get3A_298 : vector<16xf32>
        %get3A_300 = arith.index_cast %scan3A_224 : i32 to index
        %get3A_301 = arith.constant 192 : index
        %get3A_302 = tpu.vector_load %arg7[%get3A_300, %get3A_301] {strides = array<i32>} : memref<50x256xf32, #tpu.memory_space<vmem>>, vector<1x16xf32>,
        %get3A_303 = vector.shape_cast %get3A_302 : vector<1x16xf32> to vector<16xf32>
        %add3A_304 = arith.addf %scan3A_237, %get3A_303 : vector<16xf32>
        %get3A_305 = arith.index_cast %scan3A_224 : i32 to index
        %get3A_306 = arith.constant 208 : index
        %get3A_307 = tpu.vector_load %arg7[%get3A_305, %get3A_306] {strides = array<i32>} : memref<50x256xf32, #tpu.memory_space<vmem>>, vector<1x16xf32>,
        %get3A_308 = vector.shape_cast %get3A_307 : vector<1x16xf32> to vector<16xf32>
        %add3A_309 = arith.addf %scan3A_238, %get3A_308 : vector<16xf32>
        %get3A_310 = arith.index_cast %scan3A_224 : i32 to index
        %get3A_311 = arith.constant 224 : index
        %get3A_312 = tpu.vector_load %arg7[%get3A_310, %get3A_311] {strides = array<i32>} : memref<50x256xf32, #tpu.memory_space<vmem>>, vector<1x16xf32>,
        %get3A_313 = vector.shape_cast %get3A_312 : vector<1x16xf32> to vector<16xf32>
        %add3A_314 = arith.addf %scan3A_239, %get3A_313 : vector<16xf32>
        %get3A_315 = arith.index_cast %scan3A_224 : i32 to index
        %get3A_316 = arith.constant 240 : index
        %get3A_317 = tpu.vector_load %arg7[%get3A_315, %get3A_316] {strides = array<i32>} : memref<50x256xf32, #tpu.memory_space<vmem>>, vector<1x16xf32>,
        %get3A_318 = vector.shape_cast %get3A_317 : vector<1x16xf32> to vector<16xf32>
        %add3A_319 = arith.addf %scan3A_240, %get3A_318 : vector<16xf32>
        scf.yield %add3A_244, %add3A_249, %add3A_254, %add3A_259, %add3A_264, %add3A_269, %add3A_274, %add3A_279, %add3A_284, %add3A_289, %add3A_294, %add3A_299, %add3A_304, %add3A_309, %add3A_314, %add3A_319 : vector<16xf32>, vector<16xf32>, vector<16xf32>, vector<16xf32>, vector<16xf32>, vector<16xf32>, vector<16xf32>, vector<16xf32>, vector<16xf32>, vector<16xf32>, vector<16xf32>, vector<16xf32>, vector<16xf32>, vector<16xf32>, vector<16xf32>, vector<16xf32>
      }
      %scan3A_136 = arith.constant 50 : i32
      %swap3A_137 = arith.index_cast %add3A_128 : i32 to index
      %swap3A_138 = arith.constant 0 : index
      %swap3A_139 = tpu.vector_load %arg8[%swap3A_137, %swap3A_138] {strides = array<i32>} : memref<128x256xf32, #tpu.memory_space<vmem>>, vector<1x16xf32>,
      %swap3A_140 = vector.shape_cast %swap3A_139 : vector<1x16xf32> to vector<16xf32>
      %swap3A_141 = vector.shape_cast %scan3A_135#0 : vector<16xf32> to vector<1x16xf32>
      tpu.vector_store %arg8[%swap3A_137, %swap3A_138], %swap3A_141 {strides = array<i32>} : memref<128x256xf32, #tpu.memory_space<vmem>>, vector<1x16xf32>,
      %swap3A_142 = arith.index_cast %add3A_128 : i32 to index
      %swap3A_143 = arith.constant 16 : index
      %swap3A_144 = tpu.vector_load %arg8[%swap3A_142, %swap3A_143] {strides = array<i32>} : memref<128x256xf32, #tpu.memory_space<vmem>>, vector<1x16xf32>,
      %swap3A_145 = vector.shape_cast %swap3A_144 : vector<1x16xf32> to vector<16xf32>
      %swap3A_146 = vector.shape_cast %scan3A_135#1 : vector<16xf32> to vector<1x16xf32>
      tpu.vector_store %arg8[%swap3A_142, %swap3A_143], %swap3A_146 {strides = array<i32>} : memref<128x256xf32, #tpu.memory_space<vmem>>, vector<1x16xf32>,
      %swap3A_147 = arith.index_cast %add3A_128 : i32 to index
      %swap3A_148 = arith.constant 32 : index
      %swap3A_149 = tpu.vector_load %arg8[%swap3A_147, %swap3A_148] {strides = array<i32>} : memref<128x256xf32, #tpu.memory_space<vmem>>, vector<1x16xf32>,
      %swap3A_150 = vector.shape_cast %swap3A_149 : vector<1x16xf32> to vector<16xf32>
      %swap3A_151 = vector.shape_cast %scan3A_135#2 : vector<16xf32> to vector<1x16xf32>
      tpu.vector_store %arg8[%swap3A_147, %swap3A_148], %swap3A_151 {strides = array<i32>} : memref<128x256xf32, #tpu.memory_space<vmem>>, vector<1x16xf32>,
      %swap3A_152 = arith.index_cast %add3A_128 : i32 to index
      %swap3A_153 = arith.constant 48 : index
      %swap3A_154 = tpu.vector_load %arg8[%swap3A_152, %swap3A_153] {strides = array<i32>} : memref<128x256xf32, #tpu.memory_space<vmem>>, vector<1x16xf32>,
      %swap3A_155 = vector.shape_cast %swap3A_154 : vector<1x16xf32> to vector<16xf32>
      %swap3A_156 = vector.shape_cast %scan3A_135#3 : vector<16xf32> to vector<1x16xf32>
      tpu.vector_store %arg8[%swap3A_152, %swap3A_153], %swap3A_156 {strides = array<i32>} : memref<128x256xf32, #tpu.memory_space<vmem>>, vector<1x16xf32>,
      %swap3A_157 = arith.index_cast %add3A_128 : i32 to index
      %swap3A_158 = arith.constant 64 : index
      %swap3A_159 = tpu.vector_load %arg8[%swap3A_157, %swap3A_158] {strides = array<i32>} : memref<128x256xf32, #tpu.memory_space<vmem>>, vector<1x16xf32>,
      %swap3A_160 = vector.shape_cast %swap3A_159 : vector<1x16xf32> to vector<16xf32>
      %swap3A_161 = vector.shape_cast %scan3A_135#4 : vector<16xf32> to vector<1x16xf32>
      tpu.vector_store %arg8[%swap3A_157, %swap3A_158], %swap3A_161 {strides = array<i32>} : memref<128x256xf32, #tpu.memory_space<vmem>>, vector<1x16xf32>,
      %swap3A_162 = arith.index_cast %add3A_128 : i32 to index
      %swap3A_163 = arith.constant 80 : index
      %swap3A_164 = tpu.vector_load %arg8[%swap3A_162, %swap3A_163] {strides = array<i32>} : memref<128x256xf32, #tpu.memory_space<vmem>>, vector<1x16xf32>,
      %swap3A_165 = vector.shape_cast %swap3A_164 : vector<1x16xf32> to vector<16xf32>
      %swap3A_166 = vector.shape_cast %scan3A_135#5 : vector<16xf32> to vector<1x16xf32>
      tpu.vector_store %arg8[%swap3A_162, %swap3A_163], %swap3A_166 {strides = array<i32>} : memref<128x256xf32, #tpu.memory_space<vmem>>, vector<1x16xf32>,
      %swap3A_167 = arith.index_cast %add3A_128 : i32 to index
      %swap3A_168 = arith.constant 96 : index
      %swap3A_169 = tpu.vector_load %arg8[%swap3A_167, %swap3A_168] {strides = array<i32>} : memref<128x256xf32, #tpu.memory_space<vmem>>, vector<1x16xf32>,
      %swap3A_170 = vector.shape_cast %swap3A_169 : vector<1x16xf32> to vector<16xf32>
      %swap3A_171 = vector.shape_cast %scan3A_135#6 : vector<16xf32> to vector<1x16xf32>
      tpu.vector_store %arg8[%swap3A_167, %swap3A_168], %swap3A_171 {strides = array<i32>} : memref<128x256xf32, #tpu.memory_space<vmem>>, vector<1x16xf32>,
      %swap3A_172 = arith.index_cast %add3A_128 : i32 to index
      %swap3A_173 = arith.constant 112 : index
      %swap3A_174 = tpu.vector_load %arg8[%swap3A_172, %swap3A_173] {strides = array<i32>} : memref<128x256xf32, #tpu.memory_space<vmem>>, vector<1x16xf32>,
      %swap3A_175 = vector.shape_cast %swap3A_174 : vector<1x16xf32> to vector<16xf32>
      %swap3A_176 = vector.shape_cast %scan3A_135#7 : vector<16xf32> to vector<1x16xf32>
      tpu.vector_store %arg8[%swap3A_172, %swap3A_173], %swap3A_176 {strides = array<i32>} : memref<128x256xf32, #tpu.memory_space<vmem>>, vector<1x16xf32>,
      %swap3A_177 = arith.index_cast %add3A_128 : i32 to index
      %swap3A_178 = arith.constant 128 : index
      %swap3A_179 = tpu.vector_load %arg8[%swap3A_177, %swap3A_178] {strides = array<i32>} : memref<128x256xf32, #tpu.memory_space<vmem>>, vector<1x16xf32>,
      %swap3A_180 = vector.shape_cast %swap3A_179 : vector<1x16xf32> to vector<16xf32>
      %swap3A_181 = vector.shape_cast %scan3A_135#8 : vector<16xf32> to vector<1x16xf32>
      tpu.vector_store %arg8[%swap3A_177, %swap3A_178], %swap3A_181 {strides = array<i32>} : memref<128x256xf32, #tpu.memory_space<vmem>>, vector<1x16xf32>,
      %swap3A_182 = arith.index_cast %add3A_128 : i32 to index
      %swap3A_183 = arith.constant 144 : index
      %swap3A_184 = tpu.vector_load %arg8[%swap3A_182, %swap3A_183] {strides = array<i32>} : memref<128x256xf32, #tpu.memory_space<vmem>>, vector<1x16xf32>,
      %swap3A_185 = vector.shape_cast %swap3A_184 : vector<1x16xf32> to vector<16xf32>
      %swap3A_186 = vector.shape_cast %scan3A_135#9 : vector<16xf32> to vector<1x16xf32>
      tpu.vector_store %arg8[%swap3A_182, %swap3A_183], %swap3A_186 {strides = array<i32>} : memref<128x256xf32, #tpu.memory_space<vmem>>, vector<1x16xf32>,
      %swap3A_187 = arith.index_cast %add3A_128 : i32 to index
      %swap3A_188 = arith.constant 160 : index
      %swap3A_189 = tpu.vector_load %arg8[%swap3A_187, %swap3A_188] {strides = array<i32>} : memref<128x256xf32, #tpu.memory_space<vmem>>, vector<1x16xf32>,
      %swap3A_190 = vector.shape_cast %swap3A_189 : vector<1x16xf32> to vector<16xf32>
      %swap3A_191 = vector.shape_cast %scan3A_135#10 : vector<16xf32> to vector<1x16xf32>
      tpu.vector_store %arg8[%swap3A_187, %swap3A_188], %swap3A_191 {strides = array<i32>} : memref<128x256xf32, #tpu.memory_space<vmem>>, vector<1x16xf32>,
      %swap3A_192 = arith.index_cast %add3A_128 : i32 to index
      %swap3A_193 = arith.constant 176 : index
      %swap3A_194 = tpu.vector_load %arg8[%swap3A_192, %swap3A_193] {strides = array<i32>} : memref<128x256xf32, #tpu.memory_space<vmem>>, vector<1x16xf32>,
      %swap3A_195 = vector.shape_cast %swap3A_194 : vector<1x16xf32> to vector<16xf32>
      %swap3A_196 = vector.shape_cast %scan3A_135#11 : vector<16xf32> to vector<1x16xf32>
      tpu.vector_store %arg8[%swap3A_192, %swap3A_193], %swap3A_196 {strides = array<i32>} : memref<128x256xf32, #tpu.memory_space<vmem>>, vector<1x16xf32>,
      %swap3A_197 = arith.index_cast %add3A_128 : i32 to index
      %swap3A_198 = arith.constant 192 : index
      %swap3A_199 = tpu.vector_load %arg8[%swap3A_197, %swap3A_198] {strides = array<i32>} : memref<128x256xf32, #tpu.memory_space<vmem>>, vector<1x16xf32>,
      %swap3A_200 = vector.shape_cast %swap3A_199 : vector<1x16xf32> to vector<16xf32>
      %swap3A_201 = vector.shape_cast %scan3A_135#12 : vector<16xf32> to vector<1x16xf32>
      tpu.vector_store %arg8[%swap3A_197, %swap3A_198], %swap3A_201 {strides = array<i32>} : memref<128x256xf32, #tpu.memory_space<vmem>>, vector<1x16xf32>,
      %swap3A_202 = arith.index_cast %add3A_128 : i32 to index
      %swap3A_203 = arith.constant 208 : index
      %swap3A_204 = tpu.vector_load %arg8[%swap3A_202, %swap3A_203] {strides = array<i32>} : memref<128x256xf32, #tpu.memory_space<vmem>>, vector<1x16xf32>,
      %swap3A_205 = vector.shape_cast %swap3A_204 : vector<1x16xf32> to vector<16xf32>
      %swap3A_206 = vector.shape_cast %scan3A_135#13 : vector<16xf32> to vector<1x16xf32>
      tpu.vector_store %arg8[%swap3A_202, %swap3A_203], %swap3A_206 {strides = array<i32>} : memref<128x256xf32, #tpu.memory_space<vmem>>, vector<1x16xf32>,
      %swap3A_207 = arith.index_cast %add3A_128 : i32 to index
      %swap3A_208 = arith.constant 224 : index
      %swap3A_209 = tpu.vector_load %arg8[%swap3A_207, %swap3A_208] {strides = array<i32>} : memref<128x256xf32, #tpu.memory_space<vmem>>, vector<1x16xf32>,
      %swap3A_210 = vector.shape_cast %swap3A_209 : vector<1x16xf32> to vector<16xf32>
      %swap3A_211 = vector.shape_cast %scan3A_135#14 : vector<16xf32> to vector<1x16xf32>
      tpu.vector_store %arg8[%swap3A_207, %swap3A_208], %swap3A_211 {strides = array<i32>} : memref<128x256xf32, #tpu.memory_space<vmem>>, vector<1x16xf32>,
      %swap3A_212 = arith.index_cast %add3A_128 : i32 to index
      %swap3A_213 = arith.constant 240 : index
      %swap3A_214 = tpu.vector_load %arg8[%swap3A_212, %swap3A_213] {strides = array<i32>} : memref<128x256xf32, #tpu.memory_space<vmem>>, vector<1x16xf32>,
      %swap3A_215 = vector.shape_cast %swap3A_214 : vector<1x16xf32> to vector<16xf32>
      %swap3A_216 = vector.shape_cast %scan3A_135#15 : vector<16xf32> to vector<1x16xf32>
      tpu.vector_store %arg8[%swap3A_212, %swap3A_213], %swap3A_216 {strides = array<i32>} : memref<128x256xf32, #tpu.memory_space<vmem>>, vector<1x16xf32>,
      %add3A_217 = arith.constant 3 : i32
      %add3A_218 = arith.addi %mul3A_23, %add3A_217 : i32
      %lt3A_219 = arith.constant 128 : i32
      %lt3A_220 = arith.cmpi slt, %add3A_218, %lt3A_219 : i32
      %convert_element_type3A_221 = arith.extui %lt3A_220 : i1 to i32
      %cond3A_222 = arith.constant 0 : i32
      %cond3A_223 = arith.cmpi ne, %convert_element_type3A_221, %cond3A_222 : i32
      scf.if %cond3A_223 {
        %add3A_224 = arith.constant 3 : i32
        %add3A_225 = arith.addi %mul3A_23, %add3A_224 : i32
        %dma_start3A_226 = arith.constant 0 : i32
        %dma_start3A_227 = tpu.memref_slice %arg5[%add3A_225, %dma_start3A_226] : memref<128x50xi32, #tpu.memory_space<vmem>> -> memref<1x50xi32, #tpu.memory_space<vmem>>
        %dma_start3A_228 = tpu.memref_squeeze %dma_start3A_227 : memref<1x50xi32, #tpu.memory_space<vmem>> -> memref<50xi32, #tpu.memory_space<vmem>>
        %dma_start3A_229 = arith.constant 0 : i32
        %dma_start3A_230 = arith.constant 0 : i32
        %dma_start3A_231 = tpu.memref_slice %arg3[%dma_start3A_229, %dma_start3A_230] : memref<100000x256xf32, #tpu.memory_space<hbm>> -> memref<100000x256xf32, #tpu.memory_space<hbm>>
        tpu.enqueue_indirect_dma source(%dma_start3A_231 : memref<100000x256xf32, #tpu.memory_space<hbm>>) target(%arg7 : memref<50x256xf32, #tpu.memory_space<vmem>>) offsets(%dma_start3A_228 : memref<50xi32, #tpu.memory_space<vmem>>) semaphore(%arg10 : memref<!tpu.dma_semaphore, #tpu.memory_space<semaphore_mem>>)
      } else {
      }
    }
    %scan3A_20 = arith.constant 64 : i32
    "tpu.region"() ({
      %run_scoped3A = tpu.sem_alloc : memref<!tpu.dma_semaphore, #tpu.memory_space<semaphore_mem>>
      %dma_start3A_21 = arith.constant 0 : i32
      %dma_start3A_22 = tpu.memref_slice %arg4[%mul3A_2, %dma_start3A_21] : memref<4096x256xf32, #tpu.memory_space<hbm>> -> memref<128x256xf32, #tpu.memory_space<hbm>>
      %dma_start3A_23 = arith.constant 0 : i32
      %dma_start3A_24 = tpu.memref_slice %arg4[%mul3A_2, %dma_start3A_23] : memref<4096x256xf32, #tpu.memory_space<hbm>> -> memref<128x256xf32, #tpu.memory_space<hbm>>
      tpu.enqueue_dma source(%arg8 : memref<128x256xf32, #tpu.memory_space<vmem>>) target(%dma_start3A_24 : memref<128x256xf32, #tpu.memory_space<hbm>>) target_semaphore(%run_scoped3A : memref<!tpu.dma_semaphore, #tpu.memory_space<semaphore_mem>>)
      %dma_wait3A = arith.constant 0 : i32
      %dma_wait3A_25 = tpu.memref_slice %arg4[%mul3A_2, %dma_wait3A] : memref<4096x256xf32, #tpu.memory_space<hbm>> -> memref<128x256xf32, #tpu.memory_space<hbm>>
      %dma_wait3A_26 = arith.constant 0 : i32
      %dma_wait3A_27 = tpu.memref_slice %arg4[%mul3A_2, %dma_wait3A_26] : memref<4096x256xf32, #tpu.memory_space<hbm>> -> memref<128x256xf32, #tpu.memory_space<hbm>>
      tpu.wait_dma2 semaphore(%run_scoped3A : memref<!tpu.dma_semaphore, #tpu.memory_space<semaphore_mem>>) src(%arg8 : memref<128x256xf32, #tpu.memory_space<vmem>>) dst(%dma_wait3A_27 : memref<128x256xf32, #tpu.memory_space<hbm>>)
      tpu.yield
    }) : () -> ()
    return
  }
}

module attributes {stable_mosaic.version = 14 : i64} {
  func.func @_tc_finish_body(%arg0: i32, %arg1: memref<512x256xf32, #tpu.memory_space<vmem>>, %arg2: memref<512x50xi32, #tpu.memory_space<vmem>>, %arg3: memref<1000x256xf32, #tpu.memory_space<vmem>>, %arg4: memref<1x1000xf32, #tpu.memory_space<vmem>>, %arg5: memref<512x1000xf32, #tpu.memory_space<vmem>>) attributes {dimension_semantics = [#tpu.dimension_semantics<arbitrary>], iteration_bounds = array<i64: 8>, scalar_prefetch = 0 : i64, scratch_operands = 0 : i64, tpu.core_type = #tpu.core_type<tc>, window_params = [{transform_indices = @transform_0, window_bounds = array<i64: 512, 256>}, {transform_indices = @transform_1, window_bounds = array<i64: 512, 50>}, {pipeline_mode = #tpu.pipeline_mode<synchronous>, transform_indices = @transform_2, window_bounds = array<i64: 1000, 256>}, {pipeline_mode = #tpu.pipeline_mode<synchronous>, transform_indices = @transform_3, window_bounds = array<i64: 1, 1000>}, {transform_indices = @transform_4, window_bounds = array<i64: 512, 1000>}]} {
    %get3A = arith.constant 0 : index
    %get3A_0 = arith.constant 0 : index
    %get3A_1 = vector.load %arg1[%get3A, %get3A_0] : memref<512x256xf32, #tpu.memory_space<vmem>>, vector<512x256xf32>
    %get3A_2 = arith.constant 0 : index
    %get3A_3 = arith.constant 0 : index
    %get3A_4 = vector.load %arg2[%get3A_2, %get3A_3] : memref<512x50xi32, #tpu.memory_space<vmem>>, vector<512x50xi32>
    %ne3A = arith.constant 0 : i32
    %ne3A_5 = vector.broadcast %ne3A : i32 to vector<512x50xi32>
    %ne3A_6 = arith.cmpi ne, %get3A_4, %ne3A_5 : vector<512x50xi32>
    %convert_element_type3A = arith.extui %ne3A_6 : vector<512x50xi1> to vector<512x50xi32>
    %convert_element_type3A_7 = arith.sitofp %convert_element_type3A : vector<512x50xi32> to vector<512x50xf32>
    %reduce_sum3A = arith.constant dense<0.000000e+00> : vector<512xf32>
    %reduce_sum3A_8 = vector.multi_reduction <add>, %convert_element_type3A_7, %reduce_sum3A [1] : vector<512x50xf32> to vector<512xf32>
    %broadcast_in_dim3A = vector.shape_cast %reduce_sum3A_8 : vector<512xf32> to vector<512x1xf32>
    %div3A = vector.broadcast %broadcast_in_dim3A : vector<512x1xf32> to vector<512x256xf32>
    %div3A_9 = arith.divf %get3A_1, %div3A : vector<512x256xf32>
    %get3A_10 = arith.constant 0 : index
    %get3A_11 = arith.constant 0 : index
    %get3A_12 = vector.load %arg3[%get3A_10, %get3A_11] : memref<1000x256xf32, #tpu.memory_space<vmem>>, vector<1000x256xf32>
    %dot_general3A = arith.constant dense<0.000000e+00> : vector<512x1000xf32>
    %dot_general3A_13 = tpu.matmul %div3A_9, %get3A_12, %dot_general3A {dimension_numbers = #tpu.dot_dimension_numbers<[1], [1], [0], [0], [0, 0, 1, 0], [], []>, precision = #tpu.contract_precision<fp32>, transpose_lhs_hint = false} : vector<512x256xf32>, vector<1000x256xf32>, vector<512x1000xf32> -> vector<512x1000xf32>
    %get3A_14 = arith.constant 0 : index
    %get3A_15 = arith.constant 0 : index
    %get3A_16 = vector.load %arg4[%get3A_14, %get3A_15] : memref<1x1000xf32, #tpu.memory_space<vmem>>, vector<1x1000xf32>
    %add3A = vector.broadcast %get3A_16 : vector<1x1000xf32> to vector<512x1000xf32>
    %add3A_17 = arith.addf %dot_general3A_13, %add3A : vector<512x1000xf32>
    %reduce_max3A = arith.constant dense<0xFF800000> : vector<512xf32>
    %reduce_max3A_18 = vector.multi_reduction <maximumf>, %add3A_17, %reduce_max3A [1] : vector<512x1000xf32> to vector<512xf32>
    %broadcast_in_dim3A_19 = vector.shape_cast %reduce_max3A_18 : vector<512xf32> to vector<512x1xf32>
    %sub3A = vector.broadcast %broadcast_in_dim3A_19 : vector<512x1xf32> to vector<512x1000xf32>
    %sub3A_20 = arith.subf %add3A_17, %sub3A : vector<512x1000xf32>
    %exp3A = math.exp %sub3A_20 : vector<512x1000xf32>
    %reduce_sum3A_21 = arith.constant dense<0.000000e+00> : vector<512xf32>
    %reduce_sum3A_22 = vector.multi_reduction <add>, %exp3A, %reduce_sum3A_21 [1] : vector<512x1000xf32> to vector<512xf32>
    %broadcast_in_dim3A_23 = vector.shape_cast %reduce_sum3A_22 : vector<512xf32> to vector<512x1xf32>
    %log3A = math.log %broadcast_in_dim3A_23 : vector<512x1xf32>
    %sub3A_24 = vector.broadcast %log3A : vector<512x1xf32> to vector<512x1000xf32>
    %sub3A_25 = arith.subf %sub3A_20, %sub3A_24 : vector<512x1000xf32>
    %swap3A = arith.constant 0 : index
    %swap3A_26 = arith.constant 0 : index
    %swap3A_27 = vector.load %arg5[%swap3A, %swap3A_26] : memref<512x1000xf32, #tpu.memory_space<vmem>>, vector<512x1000xf32>
    tpu.vector_store %arg5[%swap3A, %swap3A_26], %sub3A_25 {strides = array<i32>} : memref<512x1000xf32, #tpu.memory_space<vmem>>, vector<512x1000xf32>,
    return
  }
  func.func @transform_0(%arg0: i32) -> (i32, i32) {
    %c0_i32 = arith.constant 0 : i32
    %c0_i32_0 = arith.constant 0 : i32
    return %arg0, %c0_i32 : i32, i32
  }
  func.func @transform_1(%arg0: i32) -> (i32, i32) {
    %c0_i32 = arith.constant 0 : i32
    %c0_i32_0 = arith.constant 0 : i32
    return %arg0, %c0_i32 : i32, i32
  }
  func.func @transform_2(%arg0: i32) -> (i32, i32) {
    %c0_i32 = arith.constant 0 : i32
    %c0_i32_0 = arith.constant 0 : i32
    %c0_i32_1 = arith.constant 0 : i32
    return %c0_i32, %c0_i32_0 : i32, i32
  }
  func.func @transform_3(%arg0: i32) -> (i32, i32) {
    %c0_i32 = arith.constant 0 : i32
    %c0_i32_0 = arith.constant 0 : i32
    %c0_i32_1 = arith.constant 0 : i32
    return %c0_i32, %c0_i32_0 : i32, i32
  }
  func.func @transform_4(%arg0: i32) -> (i32, i32) {
    %c0_i32 = arith.constant 0 : i32
    %c0_i32_0 = arith.constant 0 : i32
    return %arg0, %c0_i32 : i32, i32
  }
}

</mosaic_0001>

<sc_bundles>
// kernel: kernel.4.cloned.1.call-start
scs
__scs_entry_jumppad:
0x0: {  	(pc) =	sbr.rel $0x88, $3  }
0x1: {  	(tag) =	ssettag $0x0;
	lr =	simm.s32 $0x1  }
0x2: {  	[smem:$0x3F9D] =	sst lr;
	_ =	strace $0xD0000000  }
0x3: {  	_ = 	snop  }
0x4: {  	_ = 	snop  }
0x5: {  	_ = 	snop  }
0x6: {  	_ = 	snop  }
0x7: {  	_ = 	snop  }
__scs_overlays_trampoline_lowered:
0x8: {  	[smem:$0x3FAC] =	sst s0  }
0x9: {  	[smem:$0x3FAD] =	sst s1  }
0xa: {  	[smem:$0x3FAE] =	sst s2  }
0xb: {  	[smem:$0x3FAF] =	sst s3  }
0xc: {  	[smem:$0x3FB0] =	sst s4  }
0xd: {  	[smem:$0x3FB1] =	sst s5  }
0xe: {  	[smem:$0x3FB2] =	sst s6  }
0xf: {  	[smem:$0x3FB3] =	sst s7  }
0x10: {  	[smem:$0x3FB4] =	sst s8  }
0x11: {  	[smem:$0x3FB5] =	sst s9;
	s0 =	simm.s32 @!p0 $0x0  }
0x12: {  	s1 =	sld [smem:$0x3F9B];
	s0 =	simm.s32 @p0 $0x1  }
0x13: {  	[smem:$0x3FB6] =	sst s0;
	s0 =	simm.s32 @!p1 $0x0  }
0x14: {  	s2 =	sld [smem:$0x3F9A];
	s0 =	simm.s32 @p1 $0x1  }
0x15: {  	[smem:$0x3FB7] =	sst s0;
	s0 =	simm.s32 @!p2 $0x0  }
0x16: {  	s3 =	sld [smem:$0x3FDB];
	s0 =	simm.s32 @p2 $0x1  }
0x17: {  	s4 =	simm.s32 $0x1BF5;
	[smem:$0x3FB9] =	sst s0  }
0x18: {  	s0 =	sld [smem:$0x3F9C];
	_ =	swait.ge [sflag:s4], $0x0  }
0x19: {  	s7 =	sld [smem:$0x3F9D]  }
0x1a: {  	s8 =	sadd.s32 $0xFFFFE003, lr  }
0x1b: {  	s9 =	sadd.s32 $0xFFFFFEF7, lr;
	s5 =	simm.s32 $0xFFFFFFFF;
	p2 =	slt.u32 s8, $0xFFFFF086  }
0x1c: {  	p1 =	slt.u32 s9, $0xF7A;
	s5 =	simm.s32 @!p2 $0x0  }
0x1d: {  	s5 =	simm.s32 @p1 $0x1;
	p0 =	seq.s32 s7, s2  }
0x1e: {  	s7 =	smul.u32 @!p0 $0xF7A, s2;
	p2 =	seq.s32 @!p0 s5, $0x0  }
0x1f: {  	s9 =	smul.u32 $0xF7A, s1;
	s8 =	simm.s32 @!p0 $0x1BF5;
	p2 =	por !p2, p0  }
0x20: {  	[sflag:s8] =	ssyncset.s32 @!p0 $0xFFFFF086;
	s6 =	sadd.s32 @!p0 s3, s7;
	s7 =	simm.s32 @!p0 $0x108  }
0x21: {  	s3 =	sadd.s32 s3, s9;
	s6 =	sadd.s32 @!p0 $0x88, s6;
	s7 =	simm.s32 @p2 $0x1082  }
0x22: {  	[simem:s7], [sflag:s8] =	dma.local @!p0 [hbm:s6], $0xF7A  }
0x23: {  	s9 =	sor.u32 $0xD0000000, s2;
	s6 =	simm.s32 $0x108;
	_ =	swait.ge @!p0 [sflag:s8], $0x0  }
0x24: {  	s3 =	sadd.s32 $0x88, s3;
	s6 =	simm.s32 @!p1 $0x1082;
	[sflag:s4] =	ssyncset.s32 $0xFFFFF086  }
0x25: {  	[simem:s6], [sflag:s4] =	dma.local [hbm:s3], $0xF7A  }
0x26: {  	[smem:$0x3F9D] =	sst s1;
	(tag) =	ssettag s2;
	_ =	strace s9  }
0x27: {  	s1 =	sld [smem:$0x3FAD]  }
0x28: {  	s2 =	sld [smem:$0x3FAE]  }
0x29: {  	s4 =	sld [smem:$0x3FB0]  }
0x2a: {  	p0 =	seq.s32 s5, $0x0;
	s5 =	sld [smem:$0x3FB1]  }
0x2b: {  	s6 =	sld [smem:$0x3FB2]  }
0x2c: {  	s7 =	sld [smem:$0x3FB3]  }
0x2d: {  	s3 =	simm.s32 $0x108;
	s8 =	sld [smem:$0x3FB4]  }
0x2e: {  	s3 =	simm.s32 @!p0 $0x1082;
	s9 =	sld [smem:$0x3FB5]  }
0x2f: {  	lr =	sadd.s32 s0, s3;
	s0 =	sld [smem:$0x3FAC]  }
0x30: {  	s3 =	sld [smem:$0x3FAF]  }
0x31: {  	[smem:$0x3FB8] =	sst s10  }
0x32: {  	s10 =	sld [smem:$0x3FB6];
	_ =	sdelay $0x3  }
0x33: {  	p0 =	seq.s32 s10, $0x1;
	s10 =	sld [smem:$0x3FB8];
	_ =	sdelay $0x3  }
0x34: {  	[smem:$0x3FB8] =	sst s10  }
0x35: {  	s10 =	sld [smem:$0x3FB7];
	_ =	sdelay $0x3  }
0x36: {  	p1 =	seq.s32 s10, $0x1;
	s10 =	sld [smem:$0x3FB8];
	_ =	sdelay $0x3  }
0x37: {  	[smem:$0x3FB8] =	sst s10  }
0x38: {  	s10 =	sld [smem:$0x3FB9]  }
0x39: {  	_ = 	snop;
	(pc) =	sbr.ind lr, $3  }
0x3a: {  	_ = 	snop  }
0x3b: {  	_ = 	snop  }
0x3c: {  	p2 =	seq.s32 s10, $0x1;
	s10 =	sld [smem:$0x3FB8]  }
0x3d: {  	_ =	shalt  }
0x3e: {  	_ =	shalt  }
0x3f: {  	_ =	shalt  }
0x40: {  	_ =	shalt  }
0x41: {  	_ =	shalt  }
0x42: {  	_ =	shalt  }
0x43: {  	_ =	shalt  }
0x44: {  	_ =	shalt  }
0x45: {  	_ =	shalt  }
0x46: {  	_ =	shalt  }
0x47: {  	_ =	shalt  }
0x48: {  	_ =	shalt  }
0x49: {  	_ =	shalt  }
0x4a: {  	_ =	shalt  }
0x4b: {  	_ =	shalt  }
0x4c: {  	_ =	shalt  }
0x4d: {  	_ =	shalt  }
0x4e: {  	_ =	shalt  }
0x4f: {  	_ =	shalt  }
0x50: {  	_ =	shalt  }
0x51: {  	_ =	shalt  }
0x52: {  	_ =	shalt  }
0x53: {  	_ =	shalt  }
0x54: {  	_ =	shalt  }
0x55: {  	_ =	shalt  }
0x56: {  	_ =	shalt  }
0x57: {  	_ =	shalt  }
0x58: {  	_ =	shalt  }
0x59: {  	_ =	shalt  }
0x5a: {  	_ =	shalt  }
0x5b: {  	_ =	shalt  }
0x5c: {  	_ =	shalt  }
0x5d: {  	_ =	shalt  }
0x5e: {  	_ =	shalt  }
0x5f: {  	_ =	shalt  }
0x60: {  	_ =	shalt  }
0x61: {  	_ =	shalt  }
0x62: {  	_ =	shalt  }
0x63: {  	_ =	shalt  }
0x64: {  	_ =	shalt  }
0x65: {  	_ =	shalt  }
0x66: {  	_ =	shalt  }
0x67: {  	_ =	shalt  }
0x68: {  	_ =	shalt  }
0x69: {  	_ =	shalt  }
0x6a: {  	_ =	shalt  }
0x6b: {  	_ =	shalt  }
0x6c: {  	_ =	shalt  }
0x6d: {  	_ =	shalt  }
0x6e: {  	_ =	shalt  }
0x6f: {  	_ =	shalt  }
0x70: {  	_ =	shalt  }
0x71: {  	_ =	shalt  }
0x72: {  	_ =	shalt  }
0x73: {  	_ =	shalt  }
0x74: {  	_ =	shalt  }
0x75: {  	_ =	shalt  }
0x76: {  	_ =	shalt  }
0x77: {  	_ =	shalt  }
0x78: {  	_ =	shalt  }
0x79: {  	_ =	shalt  }
0x7a: {  	_ =	shalt  }
0x7b: {  	_ =	shalt  }
0x7c: {  	_ =	shalt  }
0x7d: {  	_ =	shalt  }
0x7e: {  	_ =	shalt  }
0x7f: {  	_ =	shalt  }
0x80: {  	_ =	shalt  }
0x81: {  	_ =	shalt  }
0x82: {  	_ =	shalt  }
0x83: {  	_ =	shalt  }
0x84: {  	_ =	shalt  }
0x85: {  	_ =	shalt  }
0x86: {  	_ =	shalt  }
0x87: {  	_ =	shalt  }
.Lfunc_end0:
.L_simem_size_0:
called_computation_lowered:
.L_overlay_start_0:
0x88: {  	s2 =	sld [smem:$0x3FD9]  }
0x89: {  	s3 =	sld [smem:$0x3FFE];
	_ =	sdelay $0x1  }
0x8a: {  	s1 =	srdreg.scid  }
0x8b: {  	s0 =	sand.u32 $0x1, s1  }
0x8c: {  	s17 =	sshll.u32 s0, $0xA;
	s2 =	sadd.s32 s3, s2  }
0x8d: {  	s2 =	sadd.s32 s2, s17  }
0x8e: {  	[smem:$0x3FC4] =	sst s2  }
0x8f: {  	_ = 	snop  }
0x90: {  	s2 =	sld [smem:$0x3FC8]  }
0x91: {  	s18 =	sld [smem:$0x3FD0];
	(tm) =	ssettm $0x1  }
0x92: {  	s4 =	sld [smem:$0x3FFB];
	_ =	sdelay $0x3  }
0x93: {  	_ =	strace s4  }
0x94: {  	s4 =	sld [smem:$0x3FFC];
	_ =	sdelay $0x3  }
0x95: {  	_ =	strace s4  }
0x96: {  	s4 =	sld [smem:$0x3FFD];
	_ =	sdelay $0x3  }
0x97: {  	_ =	strace s4  }
0x98: {  	_ =	strace $0x8FFFFFFF  }
0x99: {  	s19 =	sld [smem:$0x3FDB];
	_ =	sdelay $0x1  }
0x9a: {  	s5 =	simm.s32 $_scs_section_size  }
0x9b: {  	s6 =	simm.s32 $_size__tile_overlayer_lowered;
	s7 =	simm.s32 $_tile_overlayer_lowered  }
0x9c: {  	s22 =	simm.s32 $0x1BFF;
	s21 =	sshll.u32 s7, $0x1;
	s4 =	sadd.s32 s5, s19  }
0x9d: {  	s8 =	simm.s32 $0x0;
	s20 =	sshll.u32 s6, $0x1;
	s6 =	sadd.s32 s21, s4  }
0x9e: {  	[timem:s8], [sflag:s22] =	dma.local [hbm:s6], s20  }
0x9f: {  	_ =	swait.ge [sflag:s22], s20  }
0xa0: {  	s5 =	ssub.s32 $0x0, s20;
	[sflag:s22] =	ssyncset.done $0x0  }
0xa1: {  	[sflag:s22] =	ssyncadd.s32 s5;
	_ =	sdelay $0x1  }
0xa2: {  	s23 =	simm.s32 $0x1B8B  }
0xa3: {  	_ =	swait.ge [sflag:s23], $0x1  }
0xa4: {  	[sflag:s23] =	ssyncset.done $0x0  }
0xa5: {  	s25 =	simm.s32 $0x1B8E;
	s24 =	sld [smem:$0x3FFE];
	[sflag:s23] =	ssyncadd.s32 $0xFFFFFFFF  }
0xa6: {  	s26 =	simm.s32 $execute0_lowered;
	[smem:$0x3FD2] =	sst s25  }
0xa7: {  	s6 =	sshll.u32 s26, $0x1;
	_ =	strace $0x80000046;
	[dreg:$0x1] =	wrdreg $0xFFFFFFFF  }
0xa8: {  	s28 =	simm.s32 $_size_execute0_lowered;
	s4 =	sadd.s32 s4, s6;
	[dreg:$0x0] =	wrdreg $0x0  }
0xa9: {  	s6 =	sshll.u32 s28, $0x1;
	[dreg:$0x2] =	wrdreg s4  }
0xaa: {  	[dreg:$0x3] =	wrdreg s6  }
0xab: {  	[dreg:$0x4] =	wrdreg $0xC0  }
0xac: {  	_ =	task [dreg:s8], $0x5FFFF  }
0xad: {  	[dreg:$0x1] =	wrdreg $0xFFFFFFFF  }
0xae: {  	[dreg:$0x0] =	wrdreg $0x60  }
0xaf: {  	[dreg:$0x2] =	wrdreg s24  }
0xb0: {  	[dreg:$0x3] =	wrdreg s2  }
0xb1: {  	[dreg:$0x4] =	wrdreg s18  }
0xb2: {  	[dreg:$0x5] =	wrdreg $0x9  }
0xb3: {  	_ =	task.clear_ibuf [dreg:s8], $0x6FFFF;
	_ =	strace $0x90000046  }
0xb4: {  	s29 =	simm.s32 $0x9;
	_ =	strace $0x80000048  }
0xb5: {  	_ =	swait.ge [sflag:s29], $0x1  }
0xb6: {  	[sflag:s29] =	ssyncadd.s32 $0xFFFFFFFF  }
0xb7: {  	_ =	strace $0x90000048  }
0xb8: {  	_ =	sfence  }
0xb9: {  	s30 =	sld [smem:$0x0];
	_ =	sdelay $0x2  }
0xba: {  	s31 =	sshll.u32 s1, $0xD;
	s1 =	sshrl.u32 s1, $0x2  }
0xbb: {  	s3 =	sand.u32 $0x4000, s31;
	s1 =	sadd.s32 s1, s30  }
0xbc: {  	s0 =	sor.u32 s3, s0;
	s1 =	sshll.u32 s1, $0x11  }
0xbd: {  	s0 =	sor.u32 s1, s0  }
0xbe: {  	s0 =	sadd.s32 $0x8F2B, s0  }
0xbf: {  	[sflag:s0] =	ssyncadd.remote.s32 $0x1  }
0xc0: {  	_ =	sfence.sel $0xFFFF  }
0xc1: {  	[dreg:$0x0] =	wrdreg $0xFFFFFFFF;
	(pc) =	sbr.abs _section_cstart, $3  }
0xc2: {  	[dreg:$0x1] =	wrdreg $0xFFFFFFFF  }
0xc3: {  	_ =	task.clear_ibuf [dreg:s8], $0x2FFFF;
	_ =	strace $0x9FFFFFFF  }
0xc4: {  	(tm) =	ssettm $0x7FFFFFFF  }
0xc5: {  	_ =	shalt  }
tec
execute0_lowered:
.L_overlay_start_1:
0x0: {  	(tag) =	ssettag $0x1  }
0x1: {  	s0 =	rddreg [dreg:$0x0];
	s1 =	srdreg.scid  }
0x2: {  	s2 =	rddreg [dreg:$0x1];
	s3 =	stileid.u32  }
0x3: {  	s5 =	rddreg [dreg:$0x2];
	s7 =	simm.s32 $0x3;
	s9 =	simm.s32 $0x4800  }
0x4: {  	s10 =	simm.s32 $0x5000;
	s11 =	simm.s32 $0x5800;
	s12 =	simm.s32 $0x6000  }
0x5: {  	s13 =	simm.s32 $0x6800;
	s14 =	simm.s32 $0x7000;
	s15 =	simm.s32 $0x7800  }
0x6: {  	s16 =	simm.s32 $0x8000;
	s17 =	simm.s32 $0x8800;
	s18 =	simm.s32 $0x9000  }
0x7: {  	s19 =	simm.s32 $0x9800;
	s20 =	simm.s32 $0xA000;
	s21 =	simm.s32 $0xA800  }
0x8: {  	s22 =	simm.s32 $0x1;
	s23 =	simm.s32 $0x2;
	s24 =	simm.s32 $0xB000  }
0x9: {  	s25 =	simm.s32 $0x0;
	s1 =	sand.u32 $0x1, s1;
	s4 =	sshll.u32 s3, $0x8  }
.Ltmp0:
0xa: {  	s3 =	simm.s32 $0x0;
	s6 =	sshll.u32 s1, $0x7;
	(pc) =	sbr.rel .LBB2_1-.Ltmp0, $4  }
0xb: {  	[smem:$0x7FF] =	sst s3;
	s1 =	ssub.s32 $0x2, s1;
	s6 =	sor.u32 s6, s4  }
0xc: {  	v2 =	vlaneseq.u32;
	vm1 =	vcmask $0x2720;
	vm2 =	vcmask $0x700;
	_ =	strace $0x80000047;
	s30 =	sshrl.u32 s1, $0x1;
	s4 =	sshll.u32 s6, $0x4  }
0xd: {  	vm0 =	vmmov $0xffff;
	v0 =	vand.u32 $0x7, v2;
	v1 =	vshrl.u32 v2, $0x3;
	s1 =	ssub.s32 s1, s30;
	s31 =	sshll.u32 s6, $0x5;
	s0 =	sadd.s32 s4, s0  }
0xe: {  	v2 =	vor.u32 $0x8, v2;
	vm1 =	vmor vm2, vm1;
	v1 =	vmul.u32 $0x8, v1;
	s5 =	sadd.s32 s5, s31;
	s6 =	smax.u32 s1, $0x1;
	s4 =	sadd.s32 $0xC00, s0  }
.LBB2_8:
0xf: {  	s25 =	sadd.s32 $0x1, s25  }
0x10: {  	p0 =	sne.s32 s25, s6  }
.Ltmp1:
0x11: {  	_ = 	snop;
	(pc) =	sbr.rel @!p0 .LBB2_9-.Ltmp1, $4  }
0x12: {  	[hbm4b:s5+s3] =	stream.linear.scatter [tilespmem:s24], [sflag:$0x3], $0x8000, $0x38;
	[tilespmem:$0x13000] =	vst v63  }
0x13: {  	_ =	swait.ge [sflag:s7], $0x8000  }
0x14: {  	[sflag:s7] =	ssyncset.done $0x0  }
0x15: {  	[sflag:s7] =	ssyncadd.s32 $0xFFFF8000  }
.LBB2_1:
0x16: {  	[tilespmem:s3], [sflag:$0x3] =	stream.linear.gather [hbm4b:s4+s3], $0x4000, $0x38;
	[tilespmem:$0x13000] =	vst v63  }
0x17: {  	_ =	swait.ge [sflag:s7], $0x4000  }
0x18: {  	[sflag:s7] =	ssyncset.done $0x0  }
0x19: {  	[sflag:s7] =	ssyncadd.s32 $0xFFFFC000  }
0x1a: {  	v3 =	vld [tilespmem:$0x0];
	_ =	sdelay $0x4  }
0x1b: {  	v4 =	vshll.u32 v3, $0x1  }
0x1c: {  	v3 =	vand.u32 $0x7, v3;
	v4 =	vand.u32 $0xFFFFFFF0, v4  }
0x1d: {  	v3 =	vor.u32 v3, v4  }
0x1e: {  	v4 =	vperm.xlane v3, v0;
	_ =	sdelay $0x1  }
0x1f: {  	v3 =	vperm.xlane v3, v2;
	v4 =	vadd.s32 v1, v4;
	_ =	sdelay $0x1  }
0x20: {  	v3 =	vadd.s32 v1, v3;
	_ =	sdelay $0x1  }
0x21: {  	s0 =	simm.s32 $0x4000  }
0x22: {  	[tilespmem:s0], [sflag:$0x1] =	stream.indirect_vreg.gather [hbm4b:s2+s3], $0x80, v4, vm0, $0xb8;
	[tilespmem:$0x13000] =	vst v63  }
0x23: {  	_ = 	snop  }
0x24: {  	[tilespmem:s9], [sflag:$0x1] =	stream.indirect_vreg.gather [hbm4b:s2+s3], $0x80, v3, vm0, $0xb8;
	[tilespmem:$0x13000] =	vst v63  }
0x25: {  	v3 =	vld [tilespmem:$0x10];
	_ =	sdelay $0x4  }
0x26: {  	v57 =	vshll.u32 v3, $0x1  }
0x27: {  	v3 =	vand.u32 $0x7, v3;
	v4 =	vand.u32 $0xFFFFFFF0, v57  }
0x28: {  	v3 =	vor.u32 v3, v4  }
0x29: {  	v4 =	vperm.xlane v3, v0;
	_ =	sdelay $0x1  }
0x2a: {  	v3 =	vperm.xlane v3, v2;
	v4 =	vadd.s32 v1, v4;
	_ =	sdelay $0x1  }
0x2b: {  	v3 =	vadd.s32 v1, v3;
	_ =	sdelay $0x2  }
0x2c: {  	[tilespmem:s10], [sflag:$0x1] =	stream.indirect_vreg.gather [hbm4b:s2+s3], $0x80, v4, vm0, $0xb8;
	[tilespmem:$0x13000] =	vst v63  }
0x2d: {  	_ = 	snop  }
0x2e: {  	[tilespmem:s11], [sflag:$0x1] =	stream.indirect_vreg.gather [hbm4b:s2+s3], $0x80, v3, vm0, $0xb8;
	[tilespmem:$0x13000] =	vst v63  }
0x2f: {  	v3 =	vld [tilespmem:$0x20];
	_ =	sdelay $0x4  }
0x30: {  	v58 =	vshll.u32 v3, $0x1  }
0x31: {  	v3 =	vand.u32 $0x7, v3;
	v4 =	vand.u32 $0xFFFFFFF0, v58  }
0x32: {  	v3 =	vor.u32 v3, v4  }
0x33: {  	v4 =	vperm.xlane v3, v0;
	_ =	sdelay $0x1  }
0x34: {  	v3 =	vperm.xlane v3, v2;
	v4 =	vadd.s32 v1, v4;
	_ =	sdelay $0x1  }
0x35: {  	v3 =	vadd.s32 v1, v3;
	_ =	sdelay $0x2  }
0x36: {  	[tilespmem:s12], [sflag:$0x1] =	stream.indirect_vreg.gather [hbm4b:s2+s3], $0x80, v4, vm0, $0xb8;
	[tilespmem:$0x13000] =	vst v63  }
0x37: {  	_ = 	snop  }
0x38: {  	[tilespmem:s13], [sflag:$0x1] =	stream.indirect_vreg.gather [hbm4b:s2+s3], $0x80, v3, vm0, $0xb8;
	[tilespmem:$0x13000] =	vst v63  }
0x39: {  	v3 =	vld.msk [tilespmem:$0x30], $0x3;
	_ =	sdelay $0x4  }
0x3a: {  	v59 =	vshll.u32 v3, $0x1  }
0x3b: {  	v3 =	vand.u32 $0x7, v3;
	v4 =	vand.u32 $0xFFFFFFF0, v59  }
0x3c: {  	v3 =	vor.u32 v3, v4  }
0x3d: {  	v3 =	vperm.xlane v3, v0;
	_ =	sdelay $0x1  }
0x3e: {  	v3 =	vadd.s32 v1, v3;
	_ =	sdelay $0x4  }
0x3f: {  	[tilespmem:s14], [sflag:$0x1] =	stream.indirect_vreg.gather [hbm4b:s2+s3], $0x80, v3, vm1, $0xb8;
	[tilespmem:$0x13000] =	vst v63  }
0x40: {  	v3 =	vld [tilespmem:$0x80];
	_ =	sdelay $0x4  }
0x41: {  	v60 =	vshll.u32 v3, $0x1  }
0x42: {  	v3 =	vand.u32 $0x7, v3;
	v4 =	vand.u32 $0xFFFFFFF0, v60  }
0x43: {  	v3 =	vor.u32 v3, v4  }
0x44: {  	v4 =	vperm.xlane v3, v0;
	_ =	sdelay $0x1  }
0x45: {  	v3 =	vperm.xlane v3, v2;
	v4 =	vadd.s32 v1, v4;
	_ =	sdelay $0x1  }
0x46: {  	v3 =	vadd.s32 v1, v3;
	_ =	sdelay $0x2  }
0x47: {  	[tilespmem:s15], [sflag:$0x2] =	stream.indirect_vreg.gather [hbm4b:s2+s3], $0x80, v4, vm0, $0xb8;
	[tilespmem:$0x13000] =	vst v63  }
0x48: {  	_ = 	snop  }
0x49: {  	[tilespmem:s16], [sflag:$0x2] =	stream.indirect_vreg.gather [hbm4b:s2+s3], $0x80, v3, vm0, $0xb8;
	[tilespmem:$0x13000] =	vst v63  }
0x4a: {  	v3 =	vld [tilespmem:$0x90];
	_ =	sdelay $0x4  }
0x4b: {  	v61 =	vshll.u32 v3, $0x1  }
0x4c: {  	v3 =	vand.u32 $0x7, v3;
	v4 =	vand.u32 $0xFFFFFFF0, v61  }
0x4d: {  	v3 =	vor.u32 v3, v4  }
0x4e: {  	v4 =	vperm.xlane v3, v0;
	_ =	sdelay $0x1  }
0x4f: {  	v3 =	vperm.xlane v3, v2;
	v4 =	vadd.s32 v1, v4;
	_ =	sdelay $0x1  }
0x50: {  	v3 =	vadd.s32 v1, v3;
	_ =	sdelay $0x2  }
0x51: {  	[tilespmem:s17], [sflag:$0x2] =	stream.indirect_vreg.gather [hbm4b:s2+s3], $0x80, v4, vm0, $0xb8;
	[tilespmem:$0x13000] =	vst v63  }
0x52: {  	_ = 	snop  }
0x53: {  	[tilespmem:s18], [sflag:$0x2] =	stream.indirect_vreg.gather [hbm4b:s2+s3], $0x80, v3, vm0, $0xb8;
	[tilespmem:$0x13000] =	vst v63  }
0x54: {  	v3 =	vld [tilespmem:$0xA0];
	_ =	sdelay $0x4  }
0x55: {  	v62 =	vshll.u32 v3, $0x1  }
0x56: {  	v3 =	vand.u32 $0x7, v3;
	v4 =	vand.u32 $0xFFFFFFF0, v62  }
0x57: {  	v3 =	vor.u32 v3, v4  }
0x58: {  	v4 =	vperm.xlane v3, v0;
	_ =	sdelay $0x1  }
0x59: {  	v3 =	vperm.xlane v3, v2;
	v4 =	vadd.s32 v1, v4;
	_ =	sdelay $0x1  }
0x5a: {  	v3 =	vadd.s32 v1, v3;
	_ =	sdelay $0x2  }
0x5b: {  	[tilespmem:s19], [sflag:$0x2] =	stream.indirect_vreg.gather [hbm4b:s2+s3], $0x80, v4, vm0, $0xb8;
	[tilespmem:$0x13000] =	vst v63  }
0x5c: {  	_ = 	snop  }
0x5d: {  	[tilespmem:s20], [sflag:$0x2] =	stream.indirect_vreg.gather [hbm4b:s2+s3], $0x80, v3, vm0, $0xb8;
	[tilespmem:$0x13000] =	vst v63  }
0x5e: {  	v3 =	vld.msk [tilespmem:$0xB0], $0x3;
	_ =	sdelay $0x4  }
0x5f: {  	v63 =	vshll.u32 v3, $0x1  }
0x60: {  	v3 =	vand.u32 $0x7, v3;
	v4 =	vand.u32 $0xFFFFFFF0, v63  }
0x61: {  	v3 =	vor.u32 v3, v4  }
0x62: {  	v3 =	vperm.xlane v3, v0;
	_ =	sdelay $0x1  }
0x63: {  	v3 =	vadd.s32 v1, v3;
	_ =	sdelay $0x3  }
0x64: {  	s26 =	simm.s32 $0x0  }
0x65: {  	[tilespmem:s21], [sflag:$0x2] =	stream.indirect_vreg.gather [hbm4b:s2+s3], $0x80, v3, vm1, $0xb8;
	[tilespmem:$0x13000] =	vst v63  }
.LBB2_2:
0x66: {  	_ =	swait.ge [sflag:s22], $0x3200;
	s0 =	simm.s32 $0x0  }
0x67: {  	[sflag:s22] =	ssyncset.done $0x0;
	s1 =	sand.u32 $0x3800, s0;
	s0 =	sand.u32 $0x380, s0  }
0x68: {  	[sflag:s22] =	ssyncadd.s32 $0xFFFFCE00;
	s28 =	sor.u32 s0, s1  }
0x69: {  	v3 =	vld [tilespmem:s28+$0x4470]  }
0x6a: {  	v5 =	vld [tilespmem:s28+$0x4000]  }
0x6b: {  	v6 =	vld [tilespmem:s28+$0x4010]  }
0x6c: {  	v7 =	vld [tilespmem:s28+$0x4020]  }
0x6d: {  	v8 =	vld [tilespmem:s28+$0x4030]  }
0x6e: {  	v9 =	vld [tilespmem:s28+$0x4040]  }
0x6f: {  	v10 =	vld [tilespmem:s28+$0x4050]  }
0x70: {  	v11 =	vld [tilespmem:s28+$0x4060]  }
0x71: {  	v4 =	vimm.f32 $0.0e+00;
	v14 =	vld [tilespmem:s28+$0x4070]  }
0x72: {  	v15 =	vld [tilespmem:s28+$0x4400];
	v3 =	vadd.f32 v3, v4  }
0x73: {  	v18 =	vadd.f32 v5, v4;
	v17 =	vadd.f32 v6, v4  }
0x74: {  	v22 =	vld [tilespmem:s28+$0x4410];
	v16 =	vadd.f32 v7, v4;
	v12 =	vadd.f32 v8, v4  }
0x75: {  	v21 =	vld [tilespmem:s28+$0x4420];
	v13 =	vadd.f32 v9, v4;
	v9 =	vadd.f32 v10, v4  }
0x76: {  	v19 =	vld [tilespmem:s28+$0x4430];
	v10 =	vadd.f32 v11, v4;
	v6 =	vadd.f32 v14, v4  }
0x77: {  	s31 =	simm.s32 $0x100;
	s29 =	simm.s32 $0x80;
	v20 =	vld [tilespmem:s28+$0x4440];
	v11 =	vadd.f32 v15, v4;
	v14 =	vimm.f32 $0.0e+00;
	v7 =	vimm.f32 $0.0e+00  }
0x78: {  	s30 =	simm.s32 $0x200;
	s1 =	sand.u32 $0x3800, s31;
	s0 =	sand.u32 $0x380, s29;
	v23 =	vld [tilespmem:s28+$0x4450];
	v15 =	vimm.f32 $0.0e+00;
	v8 =	vimm.f32 $0.0e+00;
	v5 =	vimm.f32 $0.0e+00  }
.LBB2_3:
0x79: {  	p0 =	sne.s32 s30, $0x3100;
	v4 =	vadd.f32 v22, v4;
	v22 =	vld [tilespmem:s28+$0x4460];
	s28 =	sor.u32 s0, s1  }
0x7a: {  	v24 =	vld [tilespmem:s28+$0x4470];
	v14 =	vadd.f32 v21, v14  }
0x7b: {  	v21 =	vld [tilespmem:s28+$0x4000];
	v7 =	vadd.f32 v19, v7  }
0x7c: {  	v19 =	vld [tilespmem:s28+$0x4010];
	v15 =	vadd.f32 v20, v15  }
0x7d: {  	v20 =	vld [tilespmem:s28+$0x4020];
	v8 =	vadd.f32 v23, v8  }
0x7e: {  	v23 =	vld [tilespmem:s28+$0x4030];
	v5 =	vadd.f32 v22, v5  }
0x7f: {  	v22 =	vld [tilespmem:s28+$0x4040];
	v3 =	vadd.f32 v24, v3  }
0x80: {  	v18 =	vadd.f32 v21, v18;
	v21 =	vld [tilespmem:s28+$0x4050]  }
0x81: {  	v17 =	vadd.f32 v19, v17;
	v19 =	vld [tilespmem:s28+$0x4060]  }
0x82: {  	v16 =	vadd.f32 v20, v16;
	v20 =	vld [tilespmem:s28+$0x4070]  }
0x83: {  	v12 =	vadd.f32 v23, v12;
	v23 =	vld [tilespmem:s28+$0x4400]  }
.Ltmp2:
0x84: {  	v13 =	vadd.f32 v22, v13;
	v22 =	vld [tilespmem:s28+$0x4410];
	(pc) =	sbr.rel @p0 .LBB2_3-.Ltmp2, $4  }
0x85: {  	v9 =	vadd.f32 v21, v9;
	v21 =	vld [tilespmem:s28+$0x4420]  }
0x86: {  	v10 =	vadd.f32 v19, v10;
	v19 =	vld [tilespmem:s28+$0x4430]  }
0x87: {  	s29 =	sadd.s32 $0x80, s29;
	v6 =	vadd.f32 v20, v6;
	v20 =	vld [tilespmem:s28+$0x4440]  }
0x88: {  	s1 =	sand.u32 $0x3800, s30;
	s30 =	sadd.s32 $0x100, s30;
	s0 =	sand.u32 $0x380, s29;
	v11 =	vadd.f32 v23, v11;
	v23 =	vld [tilespmem:s28+$0x4450]  }
0x89: {  	s0 =	sor.u32 s0, s1;
	v24 =	vld [tilespmem:s28+$0x4460]  }
0x8a: {  	v25 =	vld [tilespmem:s0+$0x4470]  }
0x8b: {  	v26 =	vld [tilespmem:s0+$0x4000]  }
0x8c: {  	v27 =	vld [tilespmem:s0+$0x4010]  }
0x8d: {  	v28 =	vld [tilespmem:s0+$0x4020]  }
0x8e: {  	v29 =	vld [tilespmem:s0+$0x4030]  }
0x8f: {  	v30 =	vld [tilespmem:s0+$0x4040]  }
0x90: {  	v31 =	vld [tilespmem:s0+$0x4050]  }
0x91: {  	v32 =	vld [tilespmem:s0+$0x4060]  }
0x92: {  	v33 =	vld [tilespmem:s0+$0x4070]  }
0x93: {  	v34 =	vld [tilespmem:s0+$0x4400]  }
0x94: {  	v35 =	vld [tilespmem:s0+$0x4410]  }
0x95: {  	v36 =	vld [tilespmem:s0+$0x4420]  }
0x96: {  	s1 =	sshll.u32 s26, $0x9;
	s8 =	sshll.u32 s26, $0x8;
	v37 =	vld [tilespmem:s0+$0x4430]  }
0x97: {  	v38 =	vld [tilespmem:s0+$0x4440];
	s1 =	sand.u32 $0x7800, s1;
	s8 =	sand.u32 $0x300, s8;
	v18 =	vadd.f32 v26, v18  }
0x98: {  	v62 =	vld [tilespmem:s0+$0x4450];
	s29 =	sor.u32 s8, s1;
	v17 =	vadd.f32 v27, v17  }
0x99: {  	v63 =	vld [tilespmem:s0+$0x4460];
	v16 =	vadd.f32 v28, v16;
	[tilespmem:s29+$0xB000] =	vst v18  }
0x9a: {  	v12 =	vadd.f32 v29, v12;
	[tilespmem:s29+$0xB010] =	vst v17  }
0x9b: {  	v13 =	vadd.f32 v30, v13;
	[tilespmem:s29+$0xB020] =	vst v16  }
0x9c: {  	v9 =	vadd.f32 v31, v9;
	[tilespmem:s29+$0xB030] =	vst v12  }
0x9d: {  	v10 =	vadd.f32 v32, v10;
	[tilespmem:s29+$0xB040] =	vst v13  }
0x9e: {  	v4 =	vadd.f32 v22, v4;
	v6 =	vadd.f32 v33, v6;
	[tilespmem:s29+$0xB050] =	vst v9  }
0x9f: {  	v7 =	vadd.f32 v19, v7;
	v11 =	vadd.f32 v34, v11;
	[tilespmem:s29+$0xB060] =	vst v10  }
0xa0: {  	v4 =	vadd.f32 v35, v4;
	[tilespmem:s29+$0xB070] =	vst v6  }
0xa1: {  	v7 =	vadd.f32 v37, v7;
	v9 =	vadd.f32 v21, v14;
	[tilespmem:s29+$0xB400] =	vst v11  }
0xa2: {  	v3 =	vadd.f32 v25, v3;
	v6 =	vadd.f32 v20, v15;
	[tilespmem:s29+$0xB410] =	vst v4  }
0xa3: {  	v8 =	vadd.f32 v23, v8;
	[tilespmem:s29+$0xB430] =	vst v7;
	v9 =	vadd.f32 v36, v9  }
0xa4: {  	v4 =	vadd.f32 v24, v5;
	[tilespmem:s29+$0xB470] =	vst v3;
	v5 =	vadd.f32 v38, v6  }
0xa5: {  	v6 =	vadd.f32 v62, v8;
	[tilespmem:s29+$0xB420] =	vst v9  }
0xa6: {  	v4 =	vadd.f32 v63, v4;
	[tilespmem:s29+$0xB440] =	vst v5  }
0xa7: {  	s28 =	sshll.u32 s26, $0xA;
	p0 =	seq.s32 s26, $0x3F;
	[tilespmem:s29+$0xB450] =	vst v6  }
0xa8: {  	s0 =	sshrl.u32 @!p0 s28, $0x2;
	[tilespmem:s29+$0xB460] =	vst v4  }
0xa9: {  	v3 =	vld @!p0 [tilespmem:s0+$0x100];
	_ =	sdelay $0x4  }
0xaa: {  	v4 =	vshll.u32 @!p0 v3, $0x1  }
0xab: {  	v5 =	vlaneseq.u32 @!p0;
	v3 =	vand.u32 @!p0 $0x7, v3;
	v4 =	vand.u32 @!p0 $0xFFFFFFF0, v4  }
0xac: {  	v6 =	vshrl.u32 @!p0 v5, $0x3;
	v3 =	vor.u32 @!p0 v3, v4;
	v4 =	vand.u32 @!p0 $0x7, v5  }
0xad: {  	v6 =	vmul.u32 @!p0 $0x8, v6;
	v7 =	vperm.xlane @!p0 v3, v4  }
0xae: {  	v5 =	vor.u32 @!p0 $0x8, v5  }
0xaf: {  	v3 =	vperm.xlane @!p0 v3, v5;
	v7 =	vadd.s32 @!p0 v6, v7;
	_ =	sdelay $0x1  }
0xb0: {  	v3 =	vadd.s32 @!p0 v6, v3;
	_ =	sdelay $0x1  }
0xb1: {  	vm2 =	vmmov @!p0 $0xffff;
	s1 =	simm.s32 @!p0 $0x0;
	s8 =	simm.s32 @!p0 $0x4000  }
0xb2: {  	[tilespmem:s8], [sflag:$0x1] =	stream.indirect_vreg.gather @!p0 [hbm4b:s2+s1], $0x80, v7, vm2, $0xb8;
	[tilespmem:$0x13000] =	vst v63  }
0xb3: {  	s8 =	simm.s32 @!p0 $0x4800  }
0xb4: {  	[tilespmem:s8], [sflag:$0x1] =	stream.indirect_vreg.gather @!p0 [hbm4b:s2+s1], $0x80, v3, vm2, $0xb8;
	[tilespmem:$0x13000] =	vst v63  }
0xb5: {  	v3 =	vld @!p0 [tilespmem:s0+$0x110];
	_ =	sdelay $0x4  }
0xb6: {  	v7 =	vshll.u32 @!p0 v3, $0x1  }
0xb7: {  	v3 =	vand.u32 @!p0 $0x7, v3;
	v7 =	vand.u32 @!p0 $0xFFFFFFF0, v7  }
0xb8: {  	v3 =	vor.u32 @!p0 v3, v7  }
0xb9: {  	v7 =	vperm.xlane @!p0 v3, v4;
	_ =	sdelay $0x1  }
0xba: {  	v3 =	vperm.xlane @!p0 v3, v5;
	v7 =	vadd.s32 @!p0 v6, v7;
	_ =	sdelay $0x1  }
0xbb: {  	v3 =	vadd.s32 @!p0 v6, v3;
	_ =	sdelay $0x1  }
0xbc: {  	s8 =	simm.s32 @!p0 $0x5000  }
0xbd: {  	[tilespmem:s8], [sflag:$0x1] =	stream.indirect_vreg.gather @!p0 [hbm4b:s2+s1], $0x80, v7, vm2, $0xb8;
	[tilespmem:$0x13000] =	vst v63  }
0xbe: {  	s8 =	simm.s32 @!p0 $0x5800  }
0xbf: {  	[tilespmem:s8], [sflag:$0x1] =	stream.indirect_vreg.gather @!p0 [hbm4b:s2+s1], $0x80, v3, vm2, $0xb8;
	[tilespmem:$0x13000] =	vst v63  }
0xc0: {  	v3 =	vld @!p0 [tilespmem:s0+$0x120];
	_ =	sdelay $0x4  }
0xc1: {  	v7 =	vshll.u32 @!p0 v3, $0x1  }
0xc2: {  	v3 =	vand.u32 @!p0 $0x7, v3;
	v7 =	vand.u32 @!p0 $0xFFFFFFF0, v7  }
0xc3: {  	v3 =	vor.u32 @!p0 v3, v7  }
0xc4: {  	v7 =	vperm.xlane @!p0 v3, v4;
	_ =	sdelay $0x1  }
0xc5: {  	v3 =	vperm.xlane @!p0 v3, v5;
	v7 =	vadd.s32 @!p0 v6, v7;
	_ =	sdelay $0x1  }
0xc6: {  	v3 =	vadd.s32 @!p0 v6, v3;
	_ =	sdelay $0x1  }
0xc7: {  	s8 =	simm.s32 @!p0 $0x6000  }
0xc8: {  	[tilespmem:s8], [sflag:$0x1] =	stream.indirect_vreg.gather @!p0 [hbm4b:s2+s1], $0x80, v7, vm2, $0xb8;
	[tilespmem:$0x13000] =	vst v63  }
0xc9: {  	s8 =	simm.s32 @!p0 $0x6800  }
0xca: {  	[tilespmem:s8], [sflag:$0x1] =	stream.indirect_vreg.gather @!p0 [hbm4b:s2+s1], $0x80, v3, vm2, $0xb8;
	[tilespmem:$0x13000] =	vst v63  }
0xcb: {  	v3 =	vld.msk @!p0 [tilespmem:s0+$0x130], $0x3;
	_ =	sdelay $0x4  }
0xcc: {  	v5 =	vshll.u32 @!p0 v3, $0x1  }
0xcd: {  	v3 =	vand.u32 @!p0 $0x7, v3;
	v5 =	vand.u32 @!p0 $0xFFFFFFF0, v5  }
0xce: {  	v3 =	vor.u32 @!p0 v3, v5  }
0xcf: {  	v3 =	vperm.xlane @!p0 v3, v4;
	_ =	sdelay $0x1  }
0xd0: {  	v3 =	vadd.s32 @!p0 v6, v3;
	_ =	sdelay $0x2  }
0xd1: {  	vm3 =	vcmask @!p0 $0x700;
	vm2 =	vcmask @!p0 $0x2720  }
0xd2: {  	vm2 =	vmor @!p0 vm3, vm2;
	s0 =	simm.s32 @!p0 $0x7000  }
0xd3: {  	[tilespmem:s0], [sflag:$0x1] =	stream.indirect_vreg.gather @!p0 [hbm4b:s2+s1], $0x80, v3, vm2, $0xb8;
	[tilespmem:$0x13000] =	vst v63  }
0xd4: {  	s1 =	simm.s32 $0x0;
	_ =	swait.ge [sflag:s23], $0x3200  }
0xd5: {  	s8 =	sand.u32 $0x3800, s1;
	s0 =	sand.u32 $0x380, s1;
	[sflag:s23] =	ssyncset.done $0x0  }
0xd6: {  	s30 =	sor.u32 s0, s8;
	[sflag:s23] =	ssyncadd.s32 $0xFFFFCE00  }
0xd7: {  	v3 =	vld [tilespmem:s30+$0x7C70]  }
0xd8: {  	v5 =	vld [tilespmem:s30+$0x7800]  }
0xd9: {  	v6 =	vld [tilespmem:s30+$0x7810]  }
0xda: {  	v7 =	vld [tilespmem:s30+$0x7820]  }
0xdb: {  	v8 =	vld [tilespmem:s30+$0x7830]  }
0xdc: {  	v9 =	vld [tilespmem:s30+$0x7840]  }
0xdd: {  	v10 =	vld [tilespmem:s30+$0x7850]  }
0xde: {  	v13 =	vld [tilespmem:s30+$0x7860]  }
0xdf: {  	v4 =	vimm.f32 $0.0e+00;
	v15 =	vld [tilespmem:s30+$0x7870]  }
0xe0: {  	v16 =	vld [tilespmem:s30+$0x7C00];
	v3 =	vadd.f32 v3, v4  }
0xe1: {  	v18 =	vadd.f32 v5, v4;
	v17 =	vadd.f32 v6, v4  }
0xe2: {  	v22 =	vld [tilespmem:s30+$0x7C10];
	v14 =	vadd.f32 v7, v4;
	v11 =	vadd.f32 v8, v4  }
0xe3: {  	v20 =	vld [tilespmem:s30+$0x7C20];
	v12 =	vadd.f32 v9, v4;
	v7 =	vadd.f32 v10, v4  }
0xe4: {  	v19 =	vld [tilespmem:s30+$0x7C30];
	v8 =	vadd.f32 v13, v4;
	v6 =	vadd.f32 v15, v4  }
0xe5: {  	s31 =	simm.s32 $0x80;
	s29 =	sadd.s32 $0xB000, s29;
	s8 =	simm.s32 $0x100;
	v21 =	vld [tilespmem:s30+$0x7C40];
	v13 =	vadd.f32 v16, v4;
	v15 =	vimm.f32 $0.0e+00;
	v9 =	vimm.f32 $0.0e+00  }
0xe6: {  	s1 =	simm.s32 $0x200;
	s0 =	sand.u32 $0x3800, s8;
	s8 =	sand.u32 $0x380, s31;
	v23 =	vld [tilespmem:s30+$0x7C50];
	v16 =	vimm.f32 $0.0e+00;
	v10 =	vimm.f32 $0.0e+00;
	v5 =	vimm.f32 $0.0e+00  }
.LBB2_5:
0xe7: {  	p1 =	sne.s32 s1, $0x3100;
	v4 =	vadd.f32 v22, v4;
	v22 =	vld [tilespmem:s30+$0x7C60];
	s30 =	sor.u32 s8, s0  }
0xe8: {  	v24 =	vld [tilespmem:s30+$0x7C70];
	v15 =	vadd.f32 v20, v15  }
0xe9: {  	v20 =	vld [tilespmem:s30+$0x7800];
	v9 =	vadd.f32 v19, v9  }
0xea: {  	v19 =	vld [tilespmem:s30+$0x7810];
	v16 =	vadd.f32 v21, v16  }
0xeb: {  	v21 =	vld [tilespmem:s30+$0x7820];
	v10 =	vadd.f32 v23, v10  }
0xec: {  	v23 =	vld [tilespmem:s30+$0x7830];
	v5 =	vadd.f32 v22, v5  }
0xed: {  	v22 =	vld [tilespmem:s30+$0x7840];
	v3 =	vadd.f32 v24, v3  }
0xee: {  	v18 =	vadd.f32 v20, v18;
	v20 =	vld [tilespmem:s30+$0x7850]  }
0xef: {  	v17 =	vadd.f32 v19, v17;
	v19 =	vld [tilespmem:s30+$0x7860]  }
0xf0: {  	v14 =	vadd.f32 v21, v14;
	v21 =	vld [tilespmem:s30+$0x7870]  }
0xf1: {  	v11 =	vadd.f32 v23, v11;
	v23 =	vld [tilespmem:s30+$0x7C00]  }
.Ltmp3:
0xf2: {  	v12 =	vadd.f32 v22, v12;
	v22 =	vld [tilespmem:s30+$0x7C10];
	(pc) =	sbr.rel @p1 .LBB2_5-.Ltmp3, $4  }
0xf3: {  	v7 =	vadd.f32 v20, v7;
	v20 =	vld [tilespmem:s30+$0x7C20]  }
0xf4: {  	v8 =	vadd.f32 v19, v8;
	v19 =	vld [tilespmem:s30+$0x7C30]  }
0xf5: {  	s31 =	sadd.s32 $0x80, s31;
	v6 =	vadd.f32 v21, v6;
	v21 =	vld [tilespmem:s30+$0x7C40]  }
0xf6: {  	s0 =	sand.u32 $0x3800, s1;
	s1 =	sadd.s32 $0x100, s1;
	s8 =	sand.u32 $0x380, s31;
	v13 =	vadd.f32 v23, v13;
	v23 =	vld [tilespmem:s30+$0x7C50]  }
0xf7: {  	s0 =	sor.u32 s8, s0;
	v24 =	vld [tilespmem:s30+$0x7C60]  }
0xf8: {  	v25 =	vld [tilespmem:s0+$0x7C70]  }
0xf9: {  	v26 =	vld [tilespmem:s0+$0x7800]  }
0xfa: {  	v27 =	vld [tilespmem:s0+$0x7810]  }
0xfb: {  	v28 =	vld [tilespmem:s0+$0x7820]  }
0xfc: {  	v29 =	vld [tilespmem:s0+$0x7830]  }
0xfd: {  	v30 =	vld [tilespmem:s0+$0x7840]  }
0xfe: {  	v31 =	vld [tilespmem:s0+$0x7850]  }
0xff: {  	v32 =	vld [tilespmem:s0+$0x7860]  }
0x100: {  	v33 =	vld [tilespmem:s0+$0x7870]  }
0x101: {  	v34 =	vld [tilespmem:s0+$0x7C00]  }
0x102: {  	v35 =	vld [tilespmem:s0+$0x7C10]  }
0x103: {  	v36 =	vld [tilespmem:s0+$0x7C20]  }
0x104: {  	v37 =	vld [tilespmem:s0+$0x7C30]  }
0x105: {  	v38 =	vld [tilespmem:s0+$0x7C40];
	v18 =	vadd.f32 v26, v18  }
0x106: {  	v54 =	vld [tilespmem:s0+$0x7C50];
	v17 =	vadd.f32 v27, v17  }
0x107: {  	v55 =	vld [tilespmem:s0+$0x7C60];
	v14 =	vadd.f32 v28, v14;
	[tilespmem:s29+$0x80] =	vst v18  }
0x108: {  	v11 =	vadd.f32 v29, v11;
	[tilespmem:s29+$0x90] =	vst v17  }
0x109: {  	v12 =	vadd.f32 v30, v12;
	[tilespmem:s29+$0xA0] =	vst v14  }
0x10a: {  	v7 =	vadd.f32 v31, v7;
	[tilespmem:s29+$0xB0] =	vst v11  }
0x10b: {  	v8 =	vadd.f32 v32, v8;
	[tilespmem:s29+$0xC0] =	vst v12  }
0x10c: {  	v4 =	vadd.f32 v22, v4;
	v6 =	vadd.f32 v33, v6;
	[tilespmem:s29+$0xD0] =	vst v7  }
0x10d: {  	v59 =	vadd.f32 v21, v16;
	v57 =	vadd.f32 v34, v13;
	[tilespmem:s29+$0xE0] =	vst v8  }
0x10e: {  	v60 =	vadd.f32 v23, v10;
	v4 =	vadd.f32 v35, v4;
	[tilespmem:s29+$0xF0] =	vst v6  }
0x10f: {  	v62 =	vadd.f32 v38, v59;
	[tilespmem:s29+$0x480] =	vst v57  }
0x110: {  	v56 =	vadd.f32 v20, v15;
	v63 =	vadd.f32 v54, v60;
	[tilespmem:s29+$0x490] =	vst v4  }
0x111: {  	v58 =	vadd.f32 v19, v9;
	v3 =	vadd.f32 v25, v3;
	[tilespmem:s29+$0x4C0] =	vst v62  }
.Ltmp4:
0x112: {  	v61 =	vadd.f32 v24, v5;
	v7 =	vadd.f32 v36, v56;
	[tilespmem:s29+$0x4D0] =	vst v63;
	(pc) =	sbr.rel @p0 .LBB2_8-.Ltmp4, $4  }
0x113: {  	v8 =	vadd.f32 v37, v58;
	[tilespmem:s29+$0x4F0] =	vst v3  }
0x114: {  	v4 =	vadd.f32 v55, v61;
	[tilespmem:s29+$0x4A0] =	vst v7  }
0x115: {  	[tilespmem:s29+$0x4B0] =	vst v8  }
0x116: {  	[tilespmem:s29+$0x4E0] =	vst v4  }
0x117: {  	s0 =	sshrl.u32 s28, $0x2  }
0x118: {  	v3 =	vld [tilespmem:s0+$0x180];
	_ =	sdelay $0x4  }
0x119: {  	v4 =	vshll.u32 v3, $0x1  }
0x11a: {  	v3 =	vand.u32 $0x7, v3;
	v4 =	vand.u32 $0xFFFFFFF0, v4  }
0x11b: {  	v3 =	vor.u32 v3, v4  }
0x11c: {  	v4 =	vperm.xlane v3, v0;
	_ =	sdelay $0x1  }
0x11d: {  	v3 =	vperm.xlane v3, v2;
	v4 =	vadd.s32 v1, v4;
	_ =	sdelay $0x1  }
0x11e: {  	v3 =	vadd.s32 v1, v3;
	_ =	sdelay $0x2  }
0x11f: {  	[tilespmem:s15], [sflag:$0x2] =	stream.indirect_vreg.gather [hbm4b:s2+s3], $0x80, v4, vm0, $0xb8;
	[tilespmem:$0x13000] =	vst v63  }
0x120: {  	_ = 	snop  }
0x121: {  	[tilespmem:s16], [sflag:$0x2] =	stream.indirect_vreg.gather [hbm4b:s2+s3], $0x80, v3, vm0, $0xb8;
	[tilespmem:$0x13000] =	vst v63  }
0x122: {  	v3 =	vld [tilespmem:s0+$0x190];
	_ =	sdelay $0x4  }
0x123: {  	v61 =	vshll.u32 v3, $0x1  }
0x124: {  	v3 =	vand.u32 $0x7, v3;
	v4 =	vand.u32 $0xFFFFFFF0, v61  }
0x125: {  	v3 =	vor.u32 v3, v4  }
0x126: {  	v4 =	vperm.xlane v3, v0;
	_ =	sdelay $0x1  }
0x127: {  	v3 =	vperm.xlane v3, v2;
	v4 =	vadd.s32 v1, v4;
	_ =	sdelay $0x1  }
0x128: {  	v3 =	vadd.s32 v1, v3;
	_ =	sdelay $0x2  }
0x129: {  	[tilespmem:s17], [sflag:$0x2] =	stream.indirect_vreg.gather [hbm4b:s2+s3], $0x80, v4, vm0, $0xb8;
	[tilespmem:$0x13000] =	vst v63  }
0x12a: {  	_ = 	snop  }
0x12b: {  	[tilespmem:s18], [sflag:$0x2] =	stream.indirect_vreg.gather [hbm4b:s2+s3], $0x80, v3, vm0, $0xb8;
	[tilespmem:$0x13000] =	vst v63  }
0x12c: {  	v3 =	vld [tilespmem:s0+$0x1A0];
	_ =	sdelay $0x4  }
0x12d: {  	v62 =	vshll.u32 v3, $0x1  }
0x12e: {  	v3 =	vand.u32 $0x7, v3;
	v4 =	vand.u32 $0xFFFFFFF0, v62  }
0x12f: {  	v3 =	vor.u32 v3, v4  }
0x130: {  	v4 =	vperm.xlane v3, v0;
	_ =	sdelay $0x1  }
0x131: {  	v3 =	vperm.xlane v3, v2;
	v4 =	vadd.s32 v1, v4;
	_ =	sdelay $0x1  }
0x132: {  	v3 =	vadd.s32 v1, v3;
	_ =	sdelay $0x2  }
0x133: {  	[tilespmem:s19], [sflag:$0x2] =	stream.indirect_vreg.gather [hbm4b:s2+s3], $0x80, v4, vm0, $0xb8;
	[tilespmem:$0x13000] =	vst v63  }
0x134: {  	_ = 	snop  }
0x135: {  	[tilespmem:s20], [sflag:$0x2] =	stream.indirect_vreg.gather [hbm4b:s2+s3], $0x80, v3, vm0, $0xb8;
	[tilespmem:$0x13000] =	vst v63  }
0x136: {  	v3 =	vld.msk [tilespmem:s0+$0x1B0], $0x3;
	_ =	sdelay $0x4  }
0x137: {  	v63 =	vshll.u32 v3, $0x1  }
0x138: {  	v3 =	vand.u32 $0x7, v3;
	v4 =	vand.u32 $0xFFFFFFF0, v63  }
0x139: {  	v3 =	vor.u32 v3, v4  }
0x13a: {  	v3 =	vperm.xlane v3, v0;
	_ =	sdelay $0x1  }
0x13b: {  	v3 =	vadd.s32 v1, v3  }
.Ltmp5:
0x13c: {  	_ = 	snop;
	(pc) =	sbr.rel .LBB2_2-.Ltmp5, $3  }
0x13d: {  	_ =	sdelay $0x1  }
0x13e: {  	s26 =	sadd.s32 $0x1, s26  }
0x13f: {  	[tilespmem:s21], [sflag:$0x2] =	stream.indirect_vreg.gather [hbm4b:s2+s3], $0x80, v3, vm1, $0xb8;
	[tilespmem:$0x13000] =	vst v63  }
.LBB2_9:
0x140: {  	_ =	sfence.sel $0x180000  }
0x141: {  	[bflag:$0x0] =	sbarrier.arrive $0xFFFF  }
0x142: {  	_ =	strace $0x90000047  }
0x143: {  	s0 =	stileid.u32;
	[bflag:$0x2] =	sbarrier.arrive $0xFFFF  }
0x144: {  	p0 =	sne.s32 s0, $0x0;
	s0 =	rddreg [dreg:$0x3]  }
0x145: {  	s0 =	sadd.s32 @!p0 $0x100000, s0  }
0x146: {  	[sflag:s0] =	ssyncadd.tile.s32 @!p0 $0x1;
	_ =	shalt  }
.Lfunc_end2:
_tile_overlayer_lowered:
.L_overlay_start_2:
0x147: {  	(tag) =	ssettag $0x2  }
0x148: {  	s0 =	rddreg [dreg:$0x0];
	s2 =	stileid.u32  }
0x149: {  	s1 =	rddreg [dreg:$0x1];
	p0 =	sne.s32 s2, $0x0  }
0x14a: {  	s3 =	rddreg [dreg:$0x2];
	[bflag:$0x3] =	sbarrier.arrive $0xFFFF;
	s2 =	simm.s32 @!p0 $0x1C03  }
0x14b: {  	[timem:s3], [sflag:s2] =	dma.local @!p0 [hbm:s0], s1  }
0x14c: {  	s0 =	simm.s32 @!p0 $0x3  }
0x14d: {  	_ =	swait.ge @!p0 [sflag:s0], s1  }
0x14e: {  	s1 =	ssub.s32 @!p0 $0x0, s1;
	[sflag:s0] =	ssyncset.done @!p0 $0x0  }
0x14f: {  	[sflag:s0] =	ssyncadd.s32 @!p0 s1  }
0x150: {  	[bflag:$0x3] =	sbarrier.arrive $0xFFFF  }
0x151: {  	_ =	shalt  }

</sc_bundles>
